<compile_context>
chip_gen: v7x
topology: tpu7x:2x2x1
jax: 0.10.2.dev20260603
libtpu: 0.0.44.dev20260713+nightly
codegen_flags: <defaults>
</compile_context>

<pallas_src>
import jax
import jax.numpy as jnp
from jax import lax
from jax.experimental import pallas as pl
from jax.experimental.pallas import tpu as pltpu
from jax.experimental.pallas import tpu_sc as plsc

_B, _T, _D = 4096, 200, 64
_N = _B * _T
_CTX = 200
_NC, _NS = 2, 16
_NW = _NC * _NS
_BPW = _B // _NW
_RPW = _BPW * _T
_U = 2
_ROWS_PER_BODY = 2 * _U
_NBODY = _BPW // _ROWS_PER_BODY
_SEG = (128, 72)


def _emb_body(x_hbm, pi_hbm, val_tab, pos_tab, out_hbm,
              xi_all, pi_all, pos_vt, bufs, sem_gv, sem_ga, sem_st):
    wid = lax.axis_index("s") * _NC + lax.axis_index("c")
    wb = wid * _BPW
    base0 = wid * _RPW

    pltpu.sync_copy(x_hbm.at[pl.ds(base0, _RPW)], xi_all)
    pltpu.sync_copy(pi_hbm.at[pl.ds(base0, _RPW)], pi_all)
    pl.when(lax.axis_index("s") == 0)(lambda: pltpu.sync_copy(pos_tab, pos_vt))
    plsc.subcore_barrier()

    def row(k, h, u):
        return k * _ROWS_PER_BODY + h * _U + u

    def gv(k, h, u):
        o = 0
        for seg in _SEG:
            pltpu.async_copy(
                val_tab.at[xi_all.at[pl.ds(row(k, h, u) * _T + o, seg)]],
                bufs.at[h, u, pl.ds(o, seg)], sem_gv.at[h, u])
            o += seg

    def gv_wait(h, u):
        o = 0
        for seg in _SEG:
            pltpu.make_async_copy(
                val_tab.at[xi_all.at[pl.ds(o, seg)]],
                bufs.at[h, u, pl.ds(o, seg)], sem_gv.at[h, u]).wait()
            o += seg

    def ga(k, h, u):
        o = 0
        for seg in _SEG:
            pltpu.async_copy(
                pos_vt.at[pi_all.at[pl.ds(row(k, h, u) * _T + o, seg)]],
                bufs.at[h, u, pl.ds(o, seg)], sem_ga.at[h, u], add=True)
            o += seg

    def ga_wait(h, u):
        o = 0
        for seg in _SEG:
            pltpu.make_async_copy(
                pos_vt.at[pi_all.at[pl.ds(o, seg)]],
                bufs.at[h, u, pl.ds(o, seg)], sem_ga.at[h, u]).wait()
            o += seg

    def st(k, h, u):
        pltpu.async_copy(
            bufs.at[h, u], out_hbm.at[wb + row(k, h, u)], sem_st.at[h, u])

    def st_wait(h, u):
        pltpu.make_async_copy(
            bufs.at[h, u], out_hbm.at[wb], sem_st.at[h, u]).wait()

    for u in range(_U):
        gv(0, 0, u)

    def body(k, carry):
        for u in range(_U):
            gv_wait(0, u)
            ga(k, 0, u)
        for u in range(_U):
            pl.when(k > 0)(lambda u=u: st_wait(1, u))
            gv(k, 1, u)
        for u in range(_U):
            ga_wait(0, u)
            st(k, 0, u)
        for u in range(_U):
            gv_wait(1, u)
            ga(k, 1, u)
        for u in range(_U):
            st_wait(0, u)
            pl.when(k < _NBODY - 1)(lambda u=u: gv(k + 1, 0, u))
        for u in range(_U):
            ga_wait(1, u)
            st(k, 1, u)
        return carry

    lax.fori_loop(0, _NBODY, body, 0)

    for u in range(_U):
        st_wait(1, u)


@jax.jit
def _emb(xf, pf, value_table, pos_table):
    f = pl.kernel(
        _emb_body,
        out_type=jax.ShapeDtypeStruct((_B, _T, _D), jnp.float32),
        mesh=plsc.VectorSubcoreMesh(
            core_axis_name="c", subcore_axis_name="s",
            num_cores=_NC, num_subcores=_NS),
        scratch_types=[
            pltpu.VMEM((_RPW,), jnp.int32),
            pltpu.VMEM((_RPW,), jnp.int32),
            pltpu.VMEM_SHARED((_CTX, _D), jnp.float32),
            pltpu.VMEM((2, _U, _T, _D), jnp.float32),
            pltpu.SemaphoreType.DMA((2, _U)),
            pltpu.SemaphoreType.DMA((2, _U)),
            pltpu.SemaphoreType.DMA((2, _U)),
        ],
        compiler_params=pltpu.CompilerParams(
            use_tc_tiling_on_sc=False, skip_device_barrier=True),
    )
    return f(xf, pf, value_table, pos_table)


def kernel(x, pos_idx, value_table, pos_table):
    xf = x.reshape(_N)
    pf = pos_idx.reshape(_N)
    return _emb(xf, pf, value_table, pos_table)

# --- scband reference (transcript-rebuilt; emitter-appended) ---
"""Pipeline reference for scband-learnable-positional-embeddings-79242146611329 (READ-ONLY COPY).

The authoritative reference and input builder live on the scoring server;
editing this copy changes nothing except your own understanding.
"""

import jax, jax.numpy as jnp
import numpy as np

VOCAB = 1000000
CTX = 200
D = 64
B = 4096
T = 200

def setup_inputs(seed: int = 0) -> dict:
    key = jax.random.key(seed)
    k1, k2, k3, k4 = jax.random.split(key, 4)
    x = jax.random.randint(k1, (B, T), 0, VOCAB, dtype=jnp.int64 if jax.config.jax_enable_x64 else jnp.int32).astype(jnp.int32)
    pos_idx = jax.random.randint(k2, (B, T), 0, CTX).astype(jnp.int32)
    value_table = jax.random.normal(k3, (VOCAB, D), dtype=jnp.float32) * 0.02
    pos_table = jax.random.normal(k4, (CTX, D), dtype=jnp.float32) * 0.02
    return {"x": x, "pos_idx": pos_idx, "value_table": value_table, "pos_table": pos_table}

def reference(x, pos_idx, value_table, pos_table):
    # pos_emb = token_position_embedding(pos_idx)
    pos_emb = jnp.take(pos_table, pos_idx, axis=0)
    # value_emb = token_value_embedding(x)
    val_emb = jnp.take(value_table, x, axis=0)
    out = pos_emb + val_emb
    N, T_ = x.shape
    out = out.reshape(N, T_, -1)
    # dropout p=0.0 -> identity in eval/train
    return out

if __name__ == "__main__":
    import jax
    _d = setup_inputs()
    print(jax.jit(kernel)(*tuple(_d.values())))

</pallas_src>

<mosaic_0001>
#map = affine_map<(d0, d1) -> (0)>
#map1 = affine_map<(d0, d1) -> (0, 0)>
#map2 = affine_map<(d0, d1) -> (0, 0, 0)>
module attributes {stable_mosaic.version = 14 : i64} {
  func.func @_emb_body(%arg0: i32, %arg1: i32, %arg2: memref<819200xi32, #tpu.memory_space<hbm>>, %arg3: memref<819200xi32, #tpu.memory_space<hbm>>, %arg4: memref<1000000x64xf32, #tpu.memory_space<hbm>>, %arg5: memref<200x64xf32, #tpu.memory_space<hbm>>, %arg6: memref<4096x200x64xf32, #tpu.memory_space<hbm>>, %arg7: memref<25600xi32, #tpu.memory_space<vmem>>, %arg8: memref<25600xi32, #tpu.memory_space<vmem>>, %arg9: memref<200x64xf32, #tpu.memory_space<vmem_shared>>, %arg10: memref<2x2x200x64xf32, #tpu.memory_space<vmem>>, %arg11: memref<2x2x!tpu.dma_semaphore, #tpu.memory_space<semaphore_mem>>, %arg12: memref<2x2x!tpu.dma_semaphore, #tpu.memory_space<semaphore_mem>>, %arg13: memref<2x2x!tpu.dma_semaphore, #tpu.memory_space<semaphore_mem>>) attributes {dimension_semantics = [#tpu.dimension_semantics<core_parallel>, #tpu.dimension_semantics<subcore_parallel>], iteration_bounds = array<i64: 2, 16>, scalar_prefetch = 0 : i64, scratch_operands = 7 : i64, tpu.core_type = #tpu.core_type<sc_vector_subcore>, window_params = [{transform_indices = #map}, {transform_indices = #map}, {transform_indices = #map1}, {transform_indices = #map1}, {transform_indices = #map2}]} {
    %mul3A = arith.constant 2 : i32
    %mul3A_0 = arith.muli %arg1, %mul3A : i32
    %add3A = arith.addi %mul3A_0, %arg0 : i32
    %mul3A_1 = arith.constant 128 : i32
    %mul3A_2 = arith.muli %add3A, %mul3A_1 : i32
    %mul3A_3 = arith.constant 25600 : i32
    %mul3A_4 = arith.muli %add3A, %mul3A_3 : i32
    "tpu.region"() ({
      %run_scoped3A = tpu.sem_alloc : memref<!tpu.dma_semaphore, #tpu.memory_space<semaphore_mem>>
      %dma_start3A_114 = tpu.memref_slice %arg2[%mul3A_4] : memref<819200xi32, #tpu.memory_space<hbm>> -> memref<25600xi32, #tpu.memory_space<hbm>>
      %dma_start3A_115 = tpu.memref_slice %arg2[%mul3A_4] : memref<819200xi32, #tpu.memory_space<hbm>> -> memref<25600xi32, #tpu.memory_space<hbm>>
      tpu.enqueue_dma source(%dma_start3A_115 : memref<25600xi32, #tpu.memory_space<hbm>>) target(%arg7 : memref<25600xi32, #tpu.memory_space<vmem>>) target_semaphore(%run_scoped3A : memref<!tpu.dma_semaphore, #tpu.memory_space<semaphore_mem>>)
      %dma_wait3A_116 = tpu.memref_slice %arg2[%mul3A_4] : memref<819200xi32, #tpu.memory_space<hbm>> -> memref<25600xi32, #tpu.memory_space<hbm>>
      %dma_wait3A_117 = tpu.memref_slice %arg2[%mul3A_4] : memref<819200xi32, #tpu.memory_space<hbm>> -> memref<25600xi32, #tpu.memory_space<hbm>>
      tpu.wait_dma2 semaphore(%run_scoped3A : memref<!tpu.dma_semaphore, #tpu.memory_space<semaphore_mem>>) src(%dma_wait3A_117 : memref<25600xi32, #tpu.memory_space<hbm>>) dst(%arg7 : memref<25600xi32, #tpu.memory_space<vmem>>)
      tpu.yield
    }) : () -> ()
    "tpu.region"() ({
      %run_scoped3A = tpu.sem_alloc : memref<!tpu.dma_semaphore, #tpu.memory_space<semaphore_mem>>
      %dma_start3A_114 = tpu.memref_slice %arg3[%mul3A_4] : memref<819200xi32, #tpu.memory_space<hbm>> -> memref<25600xi32, #tpu.memory_space<hbm>>
      %dma_start3A_115 = tpu.memref_slice %arg3[%mul3A_4] : memref<819200xi32, #tpu.memory_space<hbm>> -> memref<25600xi32, #tpu.memory_space<hbm>>
      tpu.enqueue_dma source(%dma_start3A_115 : memref<25600xi32, #tpu.memory_space<hbm>>) target(%arg8 : memref<25600xi32, #tpu.memory_space<vmem>>) target_semaphore(%run_scoped3A : memref<!tpu.dma_semaphore, #tpu.memory_space<semaphore_mem>>)
      %dma_wait3A_116 = tpu.memref_slice %arg3[%mul3A_4] : memref<819200xi32, #tpu.memory_space<hbm>> -> memref<25600xi32, #tpu.memory_space<hbm>>
      %dma_wait3A_117 = tpu.memref_slice %arg3[%mul3A_4] : memref<819200xi32, #tpu.memory_space<hbm>> -> memref<25600xi32, #tpu.memory_space<hbm>>
      tpu.wait_dma2 semaphore(%run_scoped3A : memref<!tpu.dma_semaphore, #tpu.memory_space<semaphore_mem>>) src(%dma_wait3A_117 : memref<25600xi32, #tpu.memory_space<hbm>>) dst(%arg8 : memref<25600xi32, #tpu.memory_space<vmem>>)
      tpu.yield
    }) : () -> ()
    %eq3A = arith.constant 0 : i32
    %eq3A_5 = arith.cmpi eq, %arg1, %eq3A : i32
    %convert_element_type3A = arith.extui %eq3A_5 : i1 to i32
    %cond3A = arith.constant 0 : i32
    %cond3A_6 = arith.cmpi ne, %convert_element_type3A, %cond3A : i32
    scf.if %cond3A_6 {
      "tpu.region"() ({
        %run_scoped3A = tpu.sem_alloc : memref<!tpu.dma_semaphore, #tpu.memory_space<semaphore_mem>>
        tpu.enqueue_dma source(%arg5 : memref<200x64xf32, #tpu.memory_space<hbm>>) target(%arg9 : memref<200x64xf32, #tpu.memory_space<vmem_shared>>) target_semaphore(%run_scoped3A : memref<!tpu.dma_semaphore, #tpu.memory_space<semaphore_mem>>)
        tpu.wait_dma2 semaphore(%run_scoped3A : memref<!tpu.dma_semaphore, #tpu.memory_space<semaphore_mem>>) src(%arg5 : memref<200x64xf32, #tpu.memory_space<hbm>>) dst(%arg9 : memref<200x64xf32, #tpu.memory_space<vmem_shared>>)
        tpu.yield
      }) : () -> ()
    } else {
    }
    %barrier3A = arith.constant 0 : index
    tpu.barrier barrier_id(%barrier3A)
    %dma_start3A = arith.constant 0 : i32
    %dma_start3A_7 = arith.constant 0 : i32
    %dma_start3A_8 = arith.constant 0 : i32
    %dma_start3A_9 = arith.constant 0 : i32
    %dma_start3A_10 = arith.constant 0 : i32
    %dma_start3A_11 = arith.constant 0 : i32
    %dma_start3A_12 = tpu.memref_slice %arg10[%dma_start3A, %dma_start3A_7, %dma_start3A_10, %dma_start3A_11] : memref<2x2x200x64xf32, #tpu.memory_space<vmem>> -> memref<1x1x128x64xf32, #tpu.memory_space<vmem>>
    %dma_start3A_13 = tpu.memref_squeeze %dma_start3A_12 : memref<1x1x128x64xf32, #tpu.memory_space<vmem>> -> memref<128x64xf32, #tpu.memory_space<vmem>>
    %dma_start3A_14 = arith.constant 0 : i32
    %dma_start3A_15 = tpu.memref_slice %arg7[%dma_start3A_14] : memref<25600xi32, #tpu.memory_space<vmem>> -> memref<128xi32, #tpu.memory_space<vmem>>
    %dma_start3A_16 = arith.constant 0 : i32
    %dma_start3A_17 = arith.constant 0 : i32
    %dma_start3A_18 = tpu.memref_slice %arg4[%dma_start3A_16, %dma_start3A_17] : memref<1000000x64xf32, #tpu.memory_space<hbm>> -> memref<1000000x64xf32, #tpu.memory_space<hbm>>
    %dma_start3A_19 = tpu.memref_slice %arg11[%dma_start3A_8, %dma_start3A_9] : memref<2x2x!tpu.dma_semaphore, #tpu.memory_space<semaphore_mem>> -> memref<1x1x!tpu.dma_semaphore, #tpu.memory_space<semaphore_mem>>
    %dma_start3A_20 = tpu.memref_squeeze %dma_start3A_19 : memref<1x1x!tpu.dma_semaphore, #tpu.memory_space<semaphore_mem>> -> memref<!tpu.dma_semaphore, #tpu.memory_space<semaphore_mem>>
    tpu.enqueue_indirect_dma source(%dma_start3A_18 : memref<1000000x64xf32, #tpu.memory_space<hbm>>) target(%dma_start3A_13 : memref<128x64xf32, #tpu.memory_space<vmem>>) offsets(%dma_start3A_15 : memref<128xi32, #tpu.memory_space<vmem>>) semaphore(%dma_start3A_20 : memref<!tpu.dma_semaphore, #tpu.memory_space<semaphore_mem>>)
    %dma_start3A_21 = arith.constant 0 : i32
    %dma_start3A_22 = arith.constant 0 : i32
    %dma_start3A_23 = arith.constant 0 : i32
    %dma_start3A_24 = arith.constant 0 : i32
    %dma_start3A_25 = arith.constant 128 : i32
    %dma_start3A_26 = arith.constant 0 : i32
    %dma_start3A_27 = tpu.memref_slice %arg10[%dma_start3A_21, %dma_start3A_22, %dma_start3A_25, %dma_start3A_26] : memref<2x2x200x64xf32, #tpu.memory_space<vmem>> -> memref<1x1x72x64xf32, #tpu.memory_space<vmem>>
    %dma_start3A_28 = tpu.memref_squeeze %dma_start3A_27 : memref<1x1x72x64xf32, #tpu.memory_space<vmem>> -> memref<72x64xf32, #tpu.memory_space<vmem>>
    %dma_start3A_29 = arith.constant 128 : i32
    %dma_start3A_30 = tpu.memref_slice %arg7[%dma_start3A_29] : memref<25600xi32, #tpu.memory_space<vmem>> -> memref<72xi32, #tpu.memory_space<vmem>>
    %dma_start3A_31 = arith.constant 0 : i32
    %dma_start3A_32 = arith.constant 0 : i32
    %dma_start3A_33 = tpu.memref_slice %arg4[%dma_start3A_31, %dma_start3A_32] : memref<1000000x64xf32, #tpu.memory_space<hbm>> -> memref<1000000x64xf32, #tpu.memory_space<hbm>>
    %dma_start3A_34 = tpu.memref_slice %arg11[%dma_start3A_23, %dma_start3A_24] : memref<2x2x!tpu.dma_semaphore, #tpu.memory_space<semaphore_mem>> -> memref<1x1x!tpu.dma_semaphore, #tpu.memory_space<semaphore_mem>>
    %dma_start3A_35 = tpu.memref_squeeze %dma_start3A_34 : memref<1x1x!tpu.dma_semaphore, #tpu.memory_space<semaphore_mem>> -> memref<!tpu.dma_semaphore, #tpu.memory_space<semaphore_mem>>
    tpu.enqueue_indirect_dma source(%dma_start3A_33 : memref<1000000x64xf32, #tpu.memory_space<hbm>>) target(%dma_start3A_28 : memref<72x64xf32, #tpu.memory_space<vmem>>) offsets(%dma_start3A_30 : memref<72xi32, #tpu.memory_space<vmem>>) semaphore(%dma_start3A_35 : memref<!tpu.dma_semaphore, #tpu.memory_space<semaphore_mem>>)
    %dma_start3A_36 = arith.constant 0 : i32
    %dma_start3A_37 = arith.constant 1 : i32
    %dma_start3A_38 = arith.constant 0 : i32
    %dma_start3A_39 = arith.constant 1 : i32
    %dma_start3A_40 = arith.constant 0 : i32
    %dma_start3A_41 = arith.constant 0 : i32
    %dma_start3A_42 = tpu.memref_slice %arg10[%dma_start3A_36, %dma_start3A_37, %dma_start3A_40, %dma_start3A_41] : memref<2x2x200x64xf32, #tpu.memory_space<vmem>> -> memref<1x1x128x64xf32, #tpu.memory_space<vmem>>
    %dma_start3A_43 = tpu.memref_squeeze %dma_start3A_42 : memref<1x1x128x64xf32, #tpu.memory_space<vmem>> -> memref<128x64xf32, #tpu.memory_space<vmem>>
    %dma_start3A_44 = arith.constant 200 : i32
    %dma_start3A_45 = tpu.memref_slice %arg7[%dma_start3A_44] : memref<25600xi32, #tpu.memory_space<vmem>> -> memref<128xi32, #tpu.memory_space<vmem>>
    %dma_start3A_46 = arith.constant 0 : i32
    %dma_start3A_47 = arith.constant 0 : i32
    %dma_start3A_48 = tpu.memref_slice %arg4[%dma_start3A_46, %dma_start3A_47] : memref<1000000x64xf32, #tpu.memory_space<hbm>> -> memref<1000000x64xf32, #tpu.memory_space<hbm>>
    %dma_start3A_49 = tpu.memref_slice %arg11[%dma_start3A_38, %dma_start3A_39] : memref<2x2x!tpu.dma_semaphore, #tpu.memory_space<semaphore_mem>> -> memref<1x1x!tpu.dma_semaphore, #tpu.memory_space<semaphore_mem>>
    %dma_start3A_50 = tpu.memref_squeeze %dma_start3A_49 : memref<1x1x!tpu.dma_semaphore, #tpu.memory_space<semaphore_mem>> -> memref<!tpu.dma_semaphore, #tpu.memory_space<semaphore_mem>>
    tpu.enqueue_indirect_dma source(%dma_start3A_48 : memref<1000000x64xf32, #tpu.memory_space<hbm>>) target(%dma_start3A_43 : memref<128x64xf32, #tpu.memory_space<vmem>>) offsets(%dma_start3A_45 : memref<128xi32, #tpu.memory_space<vmem>>) semaphore(%dma_start3A_50 : memref<!tpu.dma_semaphore, #tpu.memory_space<semaphore_mem>>)
    %dma_start3A_51 = arith.constant 0 : i32
    %dma_start3A_52 = arith.constant 1 : i32
    %dma_start3A_53 = arith.constant 0 : i32
    %dma_start3A_54 = arith.constant 1 : i32
    %dma_start3A_55 = arith.constant 128 : i32
    %dma_start3A_56 = arith.constant 0 : i32
    %dma_start3A_57 = tpu.memref_slice %arg10[%dma_start3A_51, %dma_start3A_52, %dma_start3A_55, %dma_start3A_56] : memref<2x2x200x64xf32, #tpu.memory_space<vmem>> -> memref<1x1x72x64xf32, #tpu.memory_space<vmem>>
    %dma_start3A_58 = tpu.memref_squeeze %dma_start3A_57 : memref<1x1x72x64xf32, #tpu.memory_space<vmem>> -> memref<72x64xf32, #tpu.memory_space<vmem>>
    %dma_start3A_59 = arith.constant 328 : i32
    %dma_start3A_60 = tpu.memref_slice %arg7[%dma_start3A_59] : memref<25600xi32, #tpu.memory_space<vmem>> -> memref<72xi32, #tpu.memory_space<vmem>>
    %dma_start3A_61 = arith.constant 0 : i32
    %dma_start3A_62 = arith.constant 0 : i32
    %dma_start3A_63 = tpu.memref_slice %arg4[%dma_start3A_61, %dma_start3A_62] : memref<1000000x64xf32, #tpu.memory_space<hbm>> -> memref<1000000x64xf32, #tpu.memory_space<hbm>>
    %dma_start3A_64 = tpu.memref_slice %arg11[%dma_start3A_53, %dma_start3A_54] : memref<2x2x!tpu.dma_semaphore, #tpu.memory_space<semaphore_mem>> -> memref<1x1x!tpu.dma_semaphore, #tpu.memory_space<semaphore_mem>>
    %dma_start3A_65 = tpu.memref_squeeze %dma_start3A_64 : memref<1x1x!tpu.dma_semaphore, #tpu.memory_space<semaphore_mem>> -> memref<!tpu.dma_semaphore, #tpu.memory_space<semaphore_mem>>
    tpu.enqueue_indirect_dma source(%dma_start3A_63 : memref<1000000x64xf32, #tpu.memory_space<hbm>>) target(%dma_start3A_58 : memref<72x64xf32, #tpu.memory_space<vmem>>) offsets(%dma_start3A_60 : memref<72xi32, #tpu.memory_space<vmem>>) semaphore(%dma_start3A_65 : memref<!tpu.dma_semaphore, #tpu.memory_space<semaphore_mem>>)
    %scan3A = arith.constant 0 : i32
    %scan3A_66 = arith.constant 0 : i32
    %scan3A_67 = arith.constant 32 : i32
    %scan3A_68 = arith.addi %scan3A_66, %scan3A_67 : i32
    %scan3A_69 = arith.constant 1 : i32
    scf.for %scan3A_114 = %scan3A_66 to %scan3A_68 step %scan3A_69  : i32 {
      %dma_wait3A_115 = arith.constant 0 : i32
      %dma_wait3A_116 = arith.constant 0 : i32
      %dma_wait3A_117 = arith.constant 0 : i32
      %dma_wait3A_118 = arith.constant 0 : i32
      %dma_wait3A_119 = arith.constant 0 : i32
      %dma_wait3A_120 = arith.constant 0 : i32
      %dma_wait3A_121 = tpu.memref_slice %arg10[%dma_wait3A_115, %dma_wait3A_116, %dma_wait3A_119, %dma_wait3A_120] : memref<2x2x200x64xf32, #tpu.memory_space<vmem>> -> memref<1x1x128x64xf32, #tpu.memory_space<vmem>>
      %dma_wait3A_122 = tpu.memref_squeeze %dma_wait3A_121 : memref<1x1x128x64xf32, #tpu.memory_space<vmem>> -> memref<128x64xf32, #tpu.memory_space<vmem>>
      %dma_wait3A_123 = arith.constant 0 : i32
      %dma_wait3A_124 = tpu.memref_slice %arg7[%dma_wait3A_123] : memref<25600xi32, #tpu.memory_space<vmem>> -> memref<128xi32, #tpu.memory_space<vmem>>
      %dma_wait3A_125 = arith.constant 0 : i32
      %dma_wait3A_126 = arith.constant 0 : i32
      %dma_wait3A_127 = tpu.memref_slice %arg4[%dma_wait3A_125, %dma_wait3A_126] : memref<1000000x64xf32, #tpu.memory_space<hbm>> -> memref<1000000x64xf32, #tpu.memory_space<hbm>>
      %dma_wait3A_128 = tpu.memref_slice %arg11[%dma_wait3A_117, %dma_wait3A_118] : memref<2x2x!tpu.dma_semaphore, #tpu.memory_space<semaphore_mem>> -> memref<1x1x!tpu.dma_semaphore, #tpu.memory_space<semaphore_mem>>
      %dma_wait3A_129 = tpu.memref_squeeze %dma_wait3A_128 : memref<1x1x!tpu.dma_semaphore, #tpu.memory_space<semaphore_mem>> -> memref<!tpu.dma_semaphore, #tpu.memory_space<semaphore_mem>>
      tpu.wait_indirect_dma semaphore(%dma_wait3A_129 : memref<!tpu.dma_semaphore, #tpu.memory_space<semaphore_mem>>) src(%dma_wait3A_127 : memref<1000000x64xf32, #tpu.memory_space<hbm>>) dst(%dma_wait3A_122 : memref<128x64xf32, #tpu.memory_space<vmem>>)
      %dma_wait3A_130 = arith.constant 0 : i32
      %dma_wait3A_131 = arith.constant 0 : i32
      %dma_wait3A_132 = arith.constant 0 : i32
      %dma_wait3A_133 = arith.constant 0 : i32
      %dma_wait3A_134 = arith.constant 128 : i32
      %dma_wait3A_135 = arith.constant 0 : i32
      %dma_wait3A_136 = tpu.memref_slice %arg10[%dma_wait3A_130, %dma_wait3A_131, %dma_wait3A_134, %dma_wait3A_135] : memref<2x2x200x64xf32, #tpu.memory_space<vmem>> -> memref<1x1x72x64xf32, #tpu.memory_space<vmem>>
      %dma_wait3A_137 = tpu.memref_squeeze %dma_wait3A_136 : memref<1x1x72x64xf32, #tpu.memory_space<vmem>> -> memref<72x64xf32, #tpu.memory_space<vmem>>
      %dma_wait3A_138 = arith.constant 128 : i32
      %dma_wait3A_139 = tpu.memref_slice %arg7[%dma_wait3A_138] : memref<25600xi32, #tpu.memory_space<vmem>> -> memref<72xi32, #tpu.memory_space<vmem>>
      %dma_wait3A_140 = arith.constant 0 : i32
      %dma_wait3A_141 = arith.constant 0 : i32
      %dma_wait3A_142 = tpu.memref_slice %arg4[%dma_wait3A_140, %dma_wait3A_141] : memref<1000000x64xf32, #tpu.memory_space<hbm>> -> memref<1000000x64xf32, #tpu.memory_space<hbm>>
      %dma_wait3A_143 = tpu.memref_slice %arg11[%dma_wait3A_132, %dma_wait3A_133] : memref<2x2x!tpu.dma_semaphore, #tpu.memory_space<semaphore_mem>> -> memref<1x1x!tpu.dma_semaphore, #tpu.memory_space<semaphore_mem>>
      %dma_wait3A_144 = tpu.memref_squeeze %dma_wait3A_143 : memref<1x1x!tpu.dma_semaphore, #tpu.memory_space<semaphore_mem>> -> memref<!tpu.dma_semaphore, #tpu.memory_space<semaphore_mem>>
      tpu.wait_indirect_dma semaphore(%dma_wait3A_144 : memref<!tpu.dma_semaphore, #tpu.memory_space<semaphore_mem>>) src(%dma_wait3A_142 : memref<1000000x64xf32, #tpu.memory_space<hbm>>) dst(%dma_wait3A_137 : memref<72x64xf32, #tpu.memory_space<vmem>>)
      %mul3A_145 = arith.constant 4 : i32
      %mul3A_146 = arith.muli %scan3A_114, %mul3A_145 : i32
      %add3A_147 = arith.constant 0 : i32
      %add3A_148 = arith.addi %mul3A_146, %add3A_147 : i32
      %add3A_149 = arith.constant 0 : i32
      %add3A_150 = arith.addi %add3A_148, %add3A_149 : i32
      %mul3A_151 = arith.constant 200 : i32
      %mul3A_152 = arith.muli %add3A_150, %mul3A_151 : i32
      %add3A_153 = arith.constant 0 : i32
      %add3A_154 = arith.addi %mul3A_152, %add3A_153 : i32
      %dma_start3A_155 = arith.constant 0 : i32
      %dma_start3A_156 = arith.constant 0 : i32
      %dma_start3A_157 = arith.constant 0 : i32
      %dma_start3A_158 = arith.constant 0 : i32
      %dma_start3A_159 = arith.constant 0 : i32
      %dma_start3A_160 = arith.constant 0 : i32
      %dma_start3A_161 = tpu.memref_slice %arg10[%dma_start3A_155, %dma_start3A_156, %dma_start3A_159, %dma_start3A_160] : memref<2x2x200x64xf32, #tpu.memory_space<vmem>> -> memref<1x1x128x64xf32, #tpu.memory_space<vmem>>
      %dma_start3A_162 = tpu.memref_squeeze %dma_start3A_161 : memref<1x1x128x64xf32, #tpu.memory_space<vmem>> -> memref<128x64xf32, #tpu.memory_space<vmem>>
      %dma_start3A_163 = tpu.memref_slice %arg8[%add3A_154] : memref<25600xi32, #tpu.memory_space<vmem>> -> memref<128xi32, #tpu.memory_space<vmem>>
      %dma_start3A_164 = arith.constant 0 : i32
      %dma_start3A_165 = arith.constant 0 : i32
      %dma_start3A_166 = tpu.memref_slice %arg9[%dma_start3A_164, %dma_start3A_165] : memref<200x64xf32, #tpu.memory_space<vmem_shared>> -> memref<200x64xf32, #tpu.memory_space<vmem_shared>>
      %dma_start3A_167 = tpu.memref_slice %arg12[%dma_start3A_157, %dma_start3A_158] : memref<2x2x!tpu.dma_semaphore, #tpu.memory_space<semaphore_mem>> -> memref<1x1x!tpu.dma_semaphore, #tpu.memory_space<semaphore_mem>>
      %dma_start3A_168 = tpu.memref_squeeze %dma_start3A_167 : memref<1x1x!tpu.dma_semaphore, #tpu.memory_space<semaphore_mem>> -> memref<!tpu.dma_semaphore, #tpu.memory_space<semaphore_mem>>
      tpu.enqueue_indirect_dma source(%dma_start3A_166 : memref<200x64xf32, #tpu.memory_space<vmem_shared>>) target(%dma_start3A_162 : memref<128x64xf32, #tpu.memory_space<vmem>>) offsets(%dma_start3A_163 : memref<128xi32, #tpu.memory_space<vmem>>) semaphore(%dma_start3A_168 : memref<!tpu.dma_semaphore, #tpu.memory_space<semaphore_mem>>) {add = true}
      %mul3A_169 = arith.constant 4 : i32
      %mul3A_170 = arith.muli %scan3A_114, %mul3A_169 : i32
      %add3A_171 = arith.constant 0 : i32
      %add3A_172 = arith.addi %mul3A_170, %add3A_171 : i32
      %add3A_173 = arith.constant 0 : i32
      %add3A_174 = arith.addi %add3A_172, %add3A_173 : i32
      %mul3A_175 = arith.constant 200 : i32
      %mul3A_176 = arith.muli %add3A_174, %mul3A_175 : i32
      %add3A_177 = arith.constant 128 : i32
      %add3A_178 = arith.addi %mul3A_176, %add3A_177 : i32
      %dma_start3A_179 = arith.constant 0 : i32
      %dma_start3A_180 = arith.constant 0 : i32
      %dma_start3A_181 = arith.constant 0 : i32
      %dma_start3A_182 = arith.constant 0 : i32
      %dma_start3A_183 = arith.constant 128 : i32
      %dma_start3A_184 = arith.constant 0 : i32
      %dma_start3A_185 = tpu.memref_slice %arg10[%dma_start3A_179, %dma_start3A_180, %dma_start3A_183, %dma_start3A_184] : memref<2x2x200x64xf32, #tpu.memory_space<vmem>> -> memref<1x1x72x64xf32, #tpu.memory_space<vmem>>
      %dma_start3A_186 = tpu.memref_squeeze %dma_start3A_185 : memref<1x1x72x64xf32, #tpu.memory_space<vmem>> -> memref<72x64xf32, #tpu.memory_space<vmem>>
      %dma_start3A_187 = tpu.memref_slice %arg8[%add3A_178] : memref<25600xi32, #tpu.memory_space<vmem>> -> memref<72xi32, #tpu.memory_space<vmem>>
      %dma_start3A_188 = arith.constant 0 : i32
      %dma_start3A_189 = arith.constant 0 : i32
      %dma_start3A_190 = tpu.memref_slice %arg9[%dma_start3A_188, %dma_start3A_189] : memref<200x64xf32, #tpu.memory_space<vmem_shared>> -> memref<200x64xf32, #tpu.memory_space<vmem_shared>>
      %dma_start3A_191 = tpu.memref_slice %arg12[%dma_start3A_181, %dma_start3A_182] : memref<2x2x!tpu.dma_semaphore, #tpu.memory_space<semaphore_mem>> -> memref<1x1x!tpu.dma_semaphore, #tpu.memory_space<semaphore_mem>>
      %dma_start3A_192 = tpu.memref_squeeze %dma_start3A_191 : memref<1x1x!tpu.dma_semaphore, #tpu.memory_space<semaphore_mem>> -> memref<!tpu.dma_semaphore, #tpu.memory_space<semaphore_mem>>
      tpu.enqueue_indirect_dma source(%dma_start3A_190 : memref<200x64xf32, #tpu.memory_space<vmem_shared>>) target(%dma_start3A_186 : memref<72x64xf32, #tpu.memory_space<vmem>>) offsets(%dma_start3A_187 : memref<72xi32, #tpu.memory_space<vmem>>) semaphore(%dma_start3A_192 : memref<!tpu.dma_semaphore, #tpu.memory_space<semaphore_mem>>) {add = true}
      %dma_wait3A_193 = arith.constant 0 : i32
      %dma_wait3A_194 = arith.constant 1 : i32
      %dma_wait3A_195 = arith.constant 0 : i32
      %dma_wait3A_196 = arith.constant 1 : i32
      %dma_wait3A_197 = arith.constant 0 : i32
      %dma_wait3A_198 = arith.constant 0 : i32
      %dma_wait3A_199 = tpu.memref_slice %arg10[%dma_wait3A_193, %dma_wait3A_194, %dma_wait3A_197, %dma_wait3A_198] : memref<2x2x200x64xf32, #tpu.memory_space<vmem>> -> memref<1x1x128x64xf32, #tpu.memory_space<vmem>>
      %dma_wait3A_200 = tpu.memref_squeeze %dma_wait3A_199 : memref<1x1x128x64xf32, #tpu.memory_space<vmem>> -> memref<128x64xf32, #tpu.memory_space<vmem>>
      %dma_wait3A_201 = arith.constant 0 : i32
      %dma_wait3A_202 = tpu.memref_slice %arg7[%dma_wait3A_201] : memref<25600xi32, #tpu.memory_space<vmem>> -> memref<128xi32, #tpu.memory_space<vmem>>
      %dma_wait3A_203 = arith.constant 0 : i32
      %dma_wait3A_204 = arith.constant 0 : i32
      %dma_wait3A_205 = tpu.memref_slice %arg4[%dma_wait3A_203, %dma_wait3A_204] : memref<1000000x64xf32, #tpu.memory_space<hbm>> -> memref<1000000x64xf32, #tpu.memory_space<hbm>>
      %dma_wait3A_206 = tpu.memref_slice %arg11[%dma_wait3A_195, %dma_wait3A_196] : memref<2x2x!tpu.dma_semaphore, #tpu.memory_space<semaphore_mem>> -> memref<1x1x!tpu.dma_semaphore, #tpu.memory_space<semaphore_mem>>
      %dma_wait3A_207 = tpu.memref_squeeze %dma_wait3A_206 : memref<1x1x!tpu.dma_semaphore, #tpu.memory_space<semaphore_mem>> -> memref<!tpu.dma_semaphore, #tpu.memory_space<semaphore_mem>>
      tpu.wait_indirect_dma semaphore(%dma_wait3A_207 : memref<!tpu.dma_semaphore, #tpu.memory_space<semaphore_mem>>) src(%dma_wait3A_205 : memref<1000000x64xf32, #tpu.memory_space<hbm>>) dst(%dma_wait3A_200 : memref<128x64xf32, #tpu.memory_space<vmem>>)
      %dma_wait3A_208 = arith.constant 0 : i32
      %dma_wait3A_209 = arith.constant 1 : i32
      %dma_wait3A_210 = arith.constant 0 : i32
      %dma_wait3A_211 = arith.constant 1 : i32
      %dma_wait3A_212 = arith.constant 128 : i32
      %dma_wait3A_213 = arith.constant 0 : i32
      %dma_wait3A_214 = tpu.memref_slice %arg10[%dma_wait3A_208, %dma_wait3A_209, %dma_wait3A_212, %dma_wait3A_213] : memref<2x2x200x64xf32, #tpu.memory_space<vmem>> -> memref<1x1x72x64xf32, #tpu.memory_space<vmem>>
      %dma_wait3A_215 = tpu.memref_squeeze %dma_wait3A_214 : memref<1x1x72x64xf32, #tpu.memory_space<vmem>> -> memref<72x64xf32, #tpu.memory_space<vmem>>
      %dma_wait3A_216 = arith.constant 128 : i32
      %dma_wait3A_217 = tpu.memref_slice %arg7[%dma_wait3A_216] : memref<25600xi32, #tpu.memory_space<vmem>> -> memref<72xi32, #tpu.memory_space<vmem>>
      %dma_wait3A_218 = arith.constant 0 : i32
      %dma_wait3A_219 = arith.constant 0 : i32
      %dma_wait3A_220 = tpu.memref_slice %arg4[%dma_wait3A_218, %dma_wait3A_219] : memref<1000000x64xf32, #tpu.memory_space<hbm>> -> memref<1000000x64xf32, #tpu.memory_space<hbm>>
      %dma_wait3A_221 = tpu.memref_slice %arg11[%dma_wait3A_210, %dma_wait3A_211] : memref<2x2x!tpu.dma_semaphore, #tpu.memory_space<semaphore_mem>> -> memref<1x1x!tpu.dma_semaphore, #tpu.memory_space<semaphore_mem>>
      %dma_wait3A_222 = tpu.memref_squeeze %dma_wait3A_221 : memref<1x1x!tpu.dma_semaphore, #tpu.memory_space<semaphore_mem>> -> memref<!tpu.dma_semaphore, #tpu.memory_space<semaphore_mem>>
      tpu.wait_indirect_dma semaphore(%dma_wait3A_222 : memref<!tpu.dma_semaphore, #tpu.memory_space<semaphore_mem>>) src(%dma_wait3A_220 : memref<1000000x64xf32, #tpu.memory_space<hbm>>) dst(%dma_wait3A_215 : memref<72x64xf32, #tpu.memory_space<vmem>>)
      %mul3A_223 = arith.constant 4 : i32
      %mul3A_224 = arith.muli %scan3A_114, %mul3A_223 : i32
      %add3A_225 = arith.constant 0 : i32
      %add3A_226 = arith.addi %mul3A_224, %add3A_225 : i32
      %add3A_227 = arith.constant 1 : i32
      %add3A_228 = arith.addi %add3A_226, %add3A_227 : i32
      %mul3A_229 = arith.constant 200 : i32
      %mul3A_230 = arith.muli %add3A_228, %mul3A_229 : i32
      %add3A_231 = arith.constant 0 : i32
      %add3A_232 = arith.addi %mul3A_230, %add3A_231 : i32
      %dma_start3A_233 = arith.constant 0 : i32
      %dma_start3A_234 = arith.constant 1 : i32
      %dma_start3A_235 = arith.constant 0 : i32
      %dma_start3A_236 = arith.constant 1 : i32
      %dma_start3A_237 = arith.constant 0 : i32
      %dma_start3A_238 = arith.constant 0 : i32
      %dma_start3A_239 = tpu.memref_slice %arg10[%dma_start3A_233, %dma_start3A_234, %dma_start3A_237, %dma_start3A_238] : memref<2x2x200x64xf32, #tpu.memory_space<vmem>> -> memref<1x1x128x64xf32, #tpu.memory_space<vmem>>
      %dma_start3A_240 = tpu.memref_squeeze %dma_start3A_239 : memref<1x1x128x64xf32, #tpu.memory_space<vmem>> -> memref<128x64xf32, #tpu.memory_space<vmem>>
      %dma_start3A_241 = tpu.memref_slice %arg8[%add3A_232] : memref<25600xi32, #tpu.memory_space<vmem>> -> memref<128xi32, #tpu.memory_space<vmem>>
      %dma_start3A_242 = arith.constant 0 : i32
      %dma_start3A_243 = arith.constant 0 : i32
      %dma_start3A_244 = tpu.memref_slice %arg9[%dma_start3A_242, %dma_start3A_243] : memref<200x64xf32, #tpu.memory_space<vmem_shared>> -> memref<200x64xf32, #tpu.memory_space<vmem_shared>>
      %dma_start3A_245 = tpu.memref_slice %arg12[%dma_start3A_235, %dma_start3A_236] : memref<2x2x!tpu.dma_semaphore, #tpu.memory_space<semaphore_mem>> -> memref<1x1x!tpu.dma_semaphore, #tpu.memory_space<semaphore_mem>>
      %dma_start3A_246 = tpu.memref_squeeze %dma_start3A_245 : memref<1x1x!tpu.dma_semaphore, #tpu.memory_space<semaphore_mem>> -> memref<!tpu.dma_semaphore, #tpu.memory_space<semaphore_mem>>
      tpu.enqueue_indirect_dma source(%dma_start3A_244 : memref<200x64xf32, #tpu.memory_space<vmem_shared>>) target(%dma_start3A_240 : memref<128x64xf32, #tpu.memory_space<vmem>>) offsets(%dma_start3A_241 : memref<128xi32, #tpu.memory_space<vmem>>) semaphore(%dma_start3A_246 : memref<!tpu.dma_semaphore, #tpu.memory_space<semaphore_mem>>) {add = true}
      %mul3A_247 = arith.constant 4 : i32
      %mul3A_248 = arith.muli %scan3A_114, %mul3A_247 : i32
      %add3A_249 = arith.constant 0 : i32
      %add3A_250 = arith.addi %mul3A_248, %add3A_249 : i32
      %add3A_251 = arith.constant 1 : i32
      %add3A_252 = arith.addi %add3A_250, %add3A_251 : i32
      %mul3A_253 = arith.constant 200 : i32
      %mul3A_254 = arith.muli %add3A_252, %mul3A_253 : i32
      %add3A_255 = arith.constant 128 : i32
      %add3A_256 = arith.addi %mul3A_254, %add3A_255 : i32
      %dma_start3A_257 = arith.constant 0 : i32
      %dma_start3A_258 = arith.constant 1 : i32
      %dma_start3A_259 = arith.constant 0 : i32
      %dma_start3A_260 = arith.constant 1 : i32
      %dma_start3A_261 = arith.constant 128 : i32
      %dma_start3A_262 = arith.constant 0 : i32
      %dma_start3A_263 = tpu.memref_slice %arg10[%dma_start3A_257, %dma_start3A_258, %dma_start3A_261, %dma_start3A_262] : memref<2x2x200x64xf32, #tpu.memory_space<vmem>> -> memref<1x1x72x64xf32, #tpu.memory_space<vmem>>
      %dma_start3A_264 = tpu.memref_squeeze %dma_start3A_263 : memref<1x1x72x64xf32, #tpu.memory_space<vmem>> -> memref<72x64xf32, #tpu.memory_space<vmem>>
      %dma_start3A_265 = tpu.memref_slice %arg8[%add3A_256] : memref<25600xi32, #tpu.memory_space<vmem>> -> memref<72xi32, #tpu.memory_space<vmem>>
      %dma_start3A_266 = arith.constant 0 : i32
      %dma_start3A_267 = arith.constant 0 : i32
      %dma_start3A_268 = tpu.memref_slice %arg9[%dma_start3A_266, %dma_start3A_267] : memref<200x64xf32, #tpu.memory_space<vmem_shared>> -> memref<200x64xf32, #tpu.memory_space<vmem_shared>>
      %dma_start3A_269 = tpu.memref_slice %arg12[%dma_start3A_259, %dma_start3A_260] : memref<2x2x!tpu.dma_semaphore, #tpu.memory_space<semaphore_mem>> -> memref<1x1x!tpu.dma_semaphore, #tpu.memory_space<semaphore_mem>>
      %dma_start3A_270 = tpu.memref_squeeze %dma_start3A_269 : memref<1x1x!tpu.dma_semaphore, #tpu.memory_space<semaphore_mem>> -> memref<!tpu.dma_semaphore, #tpu.memory_space<semaphore_mem>>
      tpu.enqueue_indirect_dma source(%dma_start3A_268 : memref<200x64xf32, #tpu.memory_space<vmem_shared>>) target(%dma_start3A_264 : memref<72x64xf32, #tpu.memory_space<vmem>>) offsets(%dma_start3A_265 : memref<72xi32, #tpu.memory_space<vmem>>) semaphore(%dma_start3A_270 : memref<!tpu.dma_semaphore, #tpu.memory_space<semaphore_mem>>) {add = true}
      %gt3A = arith.constant 0 : i32
      %gt3A_271 = arith.cmpi sgt, %scan3A_114, %gt3A : i32
      %convert_element_type3A_272 = arith.extui %gt3A_271 : i1 to i32
      %cond3A_273 = arith.constant 0 : i32
      %cond3A_274 = arith.cmpi ne, %convert_element_type3A_272, %cond3A_273 : i32
      scf.if %cond3A_274 {
        %dma_wait3A_821 = arith.constant 1 : i32
        %dma_wait3A_822 = arith.constant 0 : i32
        %dma_wait3A_823 = arith.constant 1 : i32
        %dma_wait3A_824 = arith.constant 0 : i32
        %dma_wait3A_825 = arith.constant 0 : i32
        %dma_wait3A_826 = arith.constant 0 : i32
        %dma_wait3A_827 = tpu.memref_slice %arg10[%dma_wait3A_821, %dma_wait3A_822, %dma_wait3A_825, %dma_wait3A_826] : memref<2x2x200x64xf32, #tpu.memory_space<vmem>> -> memref<1x1x200x64xf32, #tpu.memory_space<vmem>>
        %dma_wait3A_828 = tpu.memref_squeeze %dma_wait3A_827 : memref<1x1x200x64xf32, #tpu.memory_space<vmem>> -> memref<200x64xf32, #tpu.memory_space<vmem>>
        %dma_wait3A_829 = arith.constant 0 : i32
        %dma_wait3A_830 = arith.constant 0 : i32
        %dma_wait3A_831 = tpu.memref_slice %arg6[%mul3A_2, %dma_wait3A_829, %dma_wait3A_830] : memref<4096x200x64xf32, #tpu.memory_space<hbm>> -> memref<1x200x64xf32, #tpu.memory_space<hbm>>
        %dma_wait3A_832 = tpu.memref_squeeze %dma_wait3A_831 : memref<1x200x64xf32, #tpu.memory_space<hbm>> -> memref<200x64xf32, #tpu.memory_space<hbm>>
        %dma_wait3A_833 = tpu.memref_slice %arg13[%dma_wait3A_823, %dma_wait3A_824] : memref<2x2x!tpu.dma_semaphore, #tpu.memory_space<semaphore_mem>> -> memref<1x1x!tpu.dma_semaphore, #tpu.memory_space<semaphore_mem>>
        %dma_wait3A_834 = tpu.memref_squeeze %dma_wait3A_833 : memref<1x1x!tpu.dma_semaphore, #tpu.memory_space<semaphore_mem>> -> memref<!tpu.dma_semaphore, #tpu.memory_space<semaphore_mem>>
        %dma_wait3A_835 = arith.constant 0 : i32
        %dma_wait3A_836 = arith.constant 0 : i32
        %dma_wait3A_837 = tpu.memref_slice %arg6[%mul3A_2, %dma_wait3A_835, %dma_wait3A_836] : memref<4096x200x64xf32, #tpu.memory_space<hbm>> -> memref<1x200x64xf32, #tpu.memory_space<hbm>>
        %dma_wait3A_838 = tpu.memref_squeeze %dma_wait3A_837 : memref<1x200x64xf32, #tpu.memory_space<hbm>> -> memref<200x64xf32, #tpu.memory_space<hbm>>
        %dma_wait3A_839 = arith.constant 0 : i32
        %dma_wait3A_840 = arith.constant 0 : i32
        %dma_wait3A_841 = tpu.memref_slice %arg10[%dma_wait3A_821, %dma_wait3A_822, %dma_wait3A_839, %dma_wait3A_840] : memref<2x2x200x64xf32, #tpu.memory_space<vmem>> -> memref<1x1x200x64xf32, #tpu.memory_space<vmem>>
        %dma_wait3A_842 = tpu.memref_squeeze %dma_wait3A_841 : memref<1x1x200x64xf32, #tpu.memory_space<vmem>> -> memref<200x64xf32, #tpu.memory_space<vmem>>
        tpu.wait_dma2 semaphore(%dma_wait3A_834 : memref<!tpu.dma_semaphore, #tpu.memory_space<semaphore_mem>>) src(%dma_wait3A_842 : memref<200x64xf32, #tpu.memory_space<vmem>>) dst(%dma_wait3A_838 : memref<200x64xf32, #tpu.memory_space<hbm>>)
      } else {
      }
      %mul3A_275 = arith.constant 4 : i32
      %mul3A_276 = arith.muli %scan3A_114, %mul3A_275 : i32
      %add3A_277 = arith.constant 2 : i32
      %add3A_278 = arith.addi %mul3A_276, %add3A_277 : i32
      %add3A_279 = arith.constant 0 : i32
      %add3A_280 = arith.addi %add3A_278, %add3A_279 : i32
      %mul3A_281 = arith.constant 200 : i32
      %mul3A_282 = arith.muli %add3A_280, %mul3A_281 : i32
      %add3A_283 = arith.constant 0 : i32
      %add3A_284 = arith.addi %mul3A_282, %add3A_283 : i32
      %dma_start3A_285 = arith.constant 1 : i32
      %dma_start3A_286 = arith.constant 0 : i32
      %dma_start3A_287 = arith.constant 1 : i32
      %dma_start3A_288 = arith.constant 0 : i32
      %dma_start3A_289 = arith.constant 0 : i32
      %dma_start3A_290 = arith.constant 0 : i32
      %dma_start3A_291 = tpu.memref_slice %arg10[%dma_start3A_285, %dma_start3A_286, %dma_start3A_289, %dma_start3A_290] : memref<2x2x200x64xf32, #tpu.memory_space<vmem>> -> memref<1x1x128x64xf32, #tpu.memory_space<vmem>>
      %dma_start3A_292 = tpu.memref_squeeze %dma_start3A_291 : memref<1x1x128x64xf32, #tpu.memory_space<vmem>> -> memref<128x64xf32, #tpu.memory_space<vmem>>
      %dma_start3A_293 = tpu.memref_slice %arg7[%add3A_284] : memref<25600xi32, #tpu.memory_space<vmem>> -> memref<128xi32, #tpu.memory_space<vmem>>
      %dma_start3A_294 = arith.constant 0 : i32
      %dma_start3A_295 = arith.constant 0 : i32
      %dma_start3A_296 = tpu.memref_slice %arg4[%dma_start3A_294, %dma_start3A_295] : memref<1000000x64xf32, #tpu.memory_space<hbm>> -> memref<1000000x64xf32, #tpu.memory_space<hbm>>
      %dma_start3A_297 = tpu.memref_slice %arg11[%dma_start3A_287, %dma_start3A_288] : memref<2x2x!tpu.dma_semaphore, #tpu.memory_space<semaphore_mem>> -> memref<1x1x!tpu.dma_semaphore, #tpu.memory_space<semaphore_mem>>
      %dma_start3A_298 = tpu.memref_squeeze %dma_start3A_297 : memref<1x1x!tpu.dma_semaphore, #tpu.memory_space<semaphore_mem>> -> memref<!tpu.dma_semaphore, #tpu.memory_space<semaphore_mem>>
      tpu.enqueue_indirect_dma source(%dma_start3A_296 : memref<1000000x64xf32, #tpu.memory_space<hbm>>) target(%dma_start3A_292 : memref<128x64xf32, #tpu.memory_space<vmem>>) offsets(%dma_start3A_293 : memref<128xi32, #tpu.memory_space<vmem>>) semaphore(%dma_start3A_298 : memref<!tpu.dma_semaphore, #tpu.memory_space<semaphore_mem>>)
      %mul3A_299 = arith.constant 4 : i32
      %mul3A_300 = arith.muli %scan3A_114, %mul3A_299 : i32
      %add3A_301 = arith.constant 2 : i32
      %add3A_302 = arith.addi %mul3A_300, %add3A_301 : i32
      %add3A_303 = arith.constant 0 : i32
      %add3A_304 = arith.addi %add3A_302, %add3A_303 : i32
      %mul3A_305 = arith.constant 200 : i32
      %mul3A_306 = arith.muli %add3A_304, %mul3A_305 : i32
      %add3A_307 = arith.constant 128 : i32
      %add3A_308 = arith.addi %mul3A_306, %add3A_307 : i32
      %dma_start3A_309 = arith.constant 1 : i32
      %dma_start3A_310 = arith.constant 0 : i32
      %dma_start3A_311 = arith.constant 1 : i32
      %dma_start3A_312 = arith.constant 0 : i32
      %dma_start3A_313 = arith.constant 128 : i32
      %dma_start3A_314 = arith.constant 0 : i32
      %dma_start3A_315 = tpu.memref_slice %arg10[%dma_start3A_309, %dma_start3A_310, %dma_start3A_313, %dma_start3A_314] : memref<2x2x200x64xf32, #tpu.memory_space<vmem>> -> memref<1x1x72x64xf32, #tpu.memory_space<vmem>>
      %dma_start3A_316 = tpu.memref_squeeze %dma_start3A_315 : memref<1x1x72x64xf32, #tpu.memory_space<vmem>> -> memref<72x64xf32, #tpu.memory_space<vmem>>
      %dma_start3A_317 = tpu.memref_slice %arg7[%add3A_308] : memref<25600xi32, #tpu.memory_space<vmem>> -> memref<72xi32, #tpu.memory_space<vmem>>
      %dma_start3A_318 = arith.constant 0 : i32
      %dma_start3A_319 = arith.constant 0 : i32
      %dma_start3A_320 = tpu.memref_slice %arg4[%dma_start3A_318, %dma_start3A_319] : memref<1000000x64xf32, #tpu.memory_space<hbm>> -> memref<1000000x64xf32, #tpu.memory_space<hbm>>
      %dma_start3A_321 = tpu.memref_slice %arg11[%dma_start3A_311, %dma_start3A_312] : memref<2x2x!tpu.dma_semaphore, #tpu.memory_space<semaphore_mem>> -> memref<1x1x!tpu.dma_semaphore, #tpu.memory_space<semaphore_mem>>
      %dma_start3A_322 = tpu.memref_squeeze %dma_start3A_321 : memref<1x1x!tpu.dma_semaphore, #tpu.memory_space<semaphore_mem>> -> memref<!tpu.dma_semaphore, #tpu.memory_space<semaphore_mem>>
      tpu.enqueue_indirect_dma source(%dma_start3A_320 : memref<1000000x64xf32, #tpu.memory_space<hbm>>) target(%dma_start3A_316 : memref<72x64xf32, #tpu.memory_space<vmem>>) offsets(%dma_start3A_317 : memref<72xi32, #tpu.memory_space<vmem>>) semaphore(%dma_start3A_322 : memref<!tpu.dma_semaphore, #tpu.memory_space<semaphore_mem>>)
      %gt3A_323 = arith.constant 0 : i32
      %gt3A_324 = arith.cmpi sgt, %scan3A_114, %gt3A_323 : i32
      %convert_element_type3A_325 = arith.extui %gt3A_324 : i1 to i32
      %cond3A_326 = arith.constant 0 : i32
      %cond3A_327 = arith.cmpi ne, %convert_element_type3A_325, %cond3A_326 : i32
      scf.if %cond3A_327 {
        %dma_wait3A_821 = arith.constant 1 : i32
        %dma_wait3A_822 = arith.constant 1 : i32
        %dma_wait3A_823 = arith.constant 1 : i32
        %dma_wait3A_824 = arith.constant 1 : i32
        %dma_wait3A_825 = arith.constant 0 : i32
        %dma_wait3A_826 = arith.constant 0 : i32
        %dma_wait3A_827 = tpu.memref_slice %arg10[%dma_wait3A_821, %dma_wait3A_822, %dma_wait3A_825, %dma_wait3A_826] : memref<2x2x200x64xf32, #tpu.memory_space<vmem>> -> memref<1x1x200x64xf32, #tpu.memory_space<vmem>>
        %dma_wait3A_828 = tpu.memref_squeeze %dma_wait3A_827 : memref<1x1x200x64xf32, #tpu.memory_space<vmem>> -> memref<200x64xf32, #tpu.memory_space<vmem>>
        %dma_wait3A_829 = arith.constant 0 : i32
        %dma_wait3A_830 = arith.constant 0 : i32
        %dma_wait3A_831 = tpu.memref_slice %arg6[%mul3A_2, %dma_wait3A_829, %dma_wait3A_830] : memref<4096x200x64xf32, #tpu.memory_space<hbm>> -> memref<1x200x64xf32, #tpu.memory_space<hbm>>
        %dma_wait3A_832 = tpu.memref_squeeze %dma_wait3A_831 : memref<1x200x64xf32, #tpu.memory_space<hbm>> -> memref<200x64xf32, #tpu.memory_space<hbm>>
        %dma_wait3A_833 = tpu.memref_slice %arg13[%dma_wait3A_823, %dma_wait3A_824] : memref<2x2x!tpu.dma_semaphore, #tpu.memory_space<semaphore_mem>> -> memref<1x1x!tpu.dma_semaphore, #tpu.memory_space<semaphore_mem>>
        %dma_wait3A_834 = tpu.memref_squeeze %dma_wait3A_833 : memref<1x1x!tpu.dma_semaphore, #tpu.memory_space<semaphore_mem>> -> memref<!tpu.dma_semaphore, #tpu.memory_space<semaphore_mem>>
        %dma_wait3A_835 = arith.constant 0 : i32
        %dma_wait3A_836 = arith.constant 0 : i32
        %dma_wait3A_837 = tpu.memref_slice %arg6[%mul3A_2, %dma_wait3A_835, %dma_wait3A_836] : memref<4096x200x64xf32, #tpu.memory_space<hbm>> -> memref<1x200x64xf32, #tpu.memory_space<hbm>>
        %dma_wait3A_838 = tpu.memref_squeeze %dma_wait3A_837 : memref<1x200x64xf32, #tpu.memory_space<hbm>> -> memref<200x64xf32, #tpu.memory_space<hbm>>
        %dma_wait3A_839 = arith.constant 0 : i32
        %dma_wait3A_840 = arith.constant 0 : i32
        %dma_wait3A_841 = tpu.memref_slice %arg10[%dma_wait3A_821, %dma_wait3A_822, %dma_wait3A_839, %dma_wait3A_840] : memref<2x2x200x64xf32, #tpu.memory_space<vmem>> -> memref<1x1x200x64xf32, #tpu.memory_space<vmem>>
        %dma_wait3A_842 = tpu.memref_squeeze %dma_wait3A_841 : memref<1x1x200x64xf32, #tpu.memory_space<vmem>> -> memref<200x64xf32, #tpu.memory_space<vmem>>
        tpu.wait_dma2 semaphore(%dma_wait3A_834 : memref<!tpu.dma_semaphore, #tpu.memory_space<semaphore_mem>>) src(%dma_wait3A_842 : memref<200x64xf32, #tpu.memory_space<vmem>>) dst(%dma_wait3A_838 : memref<200x64xf32, #tpu.memory_space<hbm>>)
      } else {
      }
      %mul3A_328 = arith.constant 4 : i32
      %mul3A_329 = arith.muli %scan3A_114, %mul3A_328 : i32
      %add3A_330 = arith.constant 2 : i32
      %add3A_331 = arith.addi %mul3A_329, %add3A_330 : i32
      %add3A_332 = arith.constant 1 : i32
      %add3A_333 = arith.addi %add3A_331, %add3A_332 : i32
      %mul3A_334 = arith.constant 200 : i32
      %mul3A_335 = arith.muli %add3A_333, %mul3A_334 : i32
      %add3A_336 = arith.constant 0 : i32
      %add3A_337 = arith.addi %mul3A_335, %add3A_336 : i32
      %dma_start3A_338 = arith.constant 1 : i32
      %dma_start3A_339 = arith.constant 1 : i32
      %dma_start3A_340 = arith.constant 1 : i32
      %dma_start3A_341 = arith.constant 1 : i32
      %dma_start3A_342 = arith.constant 0 : i32
      %dma_start3A_343 = arith.constant 0 : i32
      %dma_start3A_344 = tpu.memref_slice %arg10[%dma_start3A_338, %dma_start3A_339, %dma_start3A_342, %dma_start3A_343] : memref<2x2x200x64xf32, #tpu.memory_space<vmem>> -> memref<1x1x128x64xf32, #tpu.memory_space<vmem>>
      %dma_start3A_345 = tpu.memref_squeeze %dma_start3A_344 : memref<1x1x128x64xf32, #tpu.memory_space<vmem>> -> memref<128x64xf32, #tpu.memory_space<vmem>>
      %dma_start3A_346 = tpu.memref_slice %arg7[%add3A_337] : memref<25600xi32, #tpu.memory_space<vmem>> -> memref<128xi32, #tpu.memory_space<vmem>>
      %dma_start3A_347 = arith.constant 0 : i32
      %dma_start3A_348 = arith.constant 0 : i32
      %dma_start3A_349 = tpu.memref_slice %arg4[%dma_start3A_347, %dma_start3A_348] : memref<1000000x64xf32, #tpu.memory_space<hbm>> -> memref<1000000x64xf32, #tpu.memory_space<hbm>>
      %dma_start3A_350 = tpu.memref_slice %arg11[%dma_start3A_340, %dma_start3A_341] : memref<2x2x!tpu.dma_semaphore, #tpu.memory_space<semaphore_mem>> -> memref<1x1x!tpu.dma_semaphore, #tpu.memory_space<semaphore_mem>>
      %dma_start3A_351 = tpu.memref_squeeze %dma_start3A_350 : memref<1x1x!tpu.dma_semaphore, #tpu.memory_space<semaphore_mem>> -> memref<!tpu.dma_semaphore, #tpu.memory_space<semaphore_mem>>
      tpu.enqueue_indirect_dma source(%dma_start3A_349 : memref<1000000x64xf32, #tpu.memory_space<hbm>>) target(%dma_start3A_345 : memref<128x64xf32, #tpu.memory_space<vmem>>) offsets(%dma_start3A_346 : memref<128xi32, #tpu.memory_space<vmem>>) semaphore(%dma_start3A_351 : memref<!tpu.dma_semaphore, #tpu.memory_space<semaphore_mem>>)
      %mul3A_352 = arith.constant 4 : i32
      %mul3A_353 = arith.muli %scan3A_114, %mul3A_352 : i32
      %add3A_354 = arith.constant 2 : i32
      %add3A_355 = arith.addi %mul3A_353, %add3A_354 : i32
      %add3A_356 = arith.constant 1 : i32
      %add3A_357 = arith.addi %add3A_355, %add3A_356 : i32
      %mul3A_358 = arith.constant 200 : i32
      %mul3A_359 = arith.muli %add3A_357, %mul3A_358 : i32
      %add3A_360 = arith.constant 128 : i32
      %add3A_361 = arith.addi %mul3A_359, %add3A_360 : i32
      %dma_start3A_362 = arith.constant 1 : i32
      %dma_start3A_363 = arith.constant 1 : i32
      %dma_start3A_364 = arith.constant 1 : i32
      %dma_start3A_365 = arith.constant 1 : i32
      %dma_start3A_366 = arith.constant 128 : i32
      %dma_start3A_367 = arith.constant 0 : i32
      %dma_start3A_368 = tpu.memref_slice %arg10[%dma_start3A_362, %dma_start3A_363, %dma_start3A_366, %dma_start3A_367] : memref<2x2x200x64xf32, #tpu.memory_space<vmem>> -> memref<1x1x72x64xf32, #tpu.memory_space<vmem>>
      %dma_start3A_369 = tpu.memref_squeeze %dma_start3A_368 : memref<1x1x72x64xf32, #tpu.memory_space<vmem>> -> memref<72x64xf32, #tpu.memory_space<vmem>>
      %dma_start3A_370 = tpu.memref_slice %arg7[%add3A_361] : memref<25600xi32, #tpu.memory_space<vmem>> -> memref<72xi32, #tpu.memory_space<vmem>>
      %dma_start3A_371 = arith.constant 0 : i32
      %dma_start3A_372 = arith.constant 0 : i32
      %dma_start3A_373 = tpu.memref_slice %arg4[%dma_start3A_371, %dma_start3A_372] : memref<1000000x64xf32, #tpu.memory_space<hbm>> -> memref<1000000x64xf32, #tpu.memory_space<hbm>>
      %dma_start3A_374 = tpu.memref_slice %arg11[%dma_start3A_364, %dma_start3A_365] : memref<2x2x!tpu.dma_semaphore, #tpu.memory_space<semaphore_mem>> -> memref<1x1x!tpu.dma_semaphore, #tpu.memory_space<semaphore_mem>>
      %dma_start3A_375 = tpu.memref_squeeze %dma_start3A_374 : memref<1x1x!tpu.dma_semaphore, #tpu.memory_space<semaphore_mem>> -> memref<!tpu.dma_semaphore, #tpu.memory_space<semaphore_mem>>
      tpu.enqueue_indirect_dma source(%dma_start3A_373 : memref<1000000x64xf32, #tpu.memory_space<hbm>>) target(%dma_start3A_369 : memref<72x64xf32, #tpu.memory_space<vmem>>) offsets(%dma_start3A_370 : memref<72xi32, #tpu.memory_space<vmem>>) semaphore(%dma_start3A_375 : memref<!tpu.dma_semaphore, #tpu.memory_space<semaphore_mem>>)
      %dma_wait3A_376 = arith.constant 0 : i32
      %dma_wait3A_377 = arith.constant 0 : i32
      %dma_wait3A_378 = arith.constant 0 : i32
      %dma_wait3A_379 = arith.constant 0 : i32
      %dma_wait3A_380 = arith.constant 0 : i32
      %dma_wait3A_381 = arith.constant 0 : i32
      %dma_wait3A_382 = tpu.memref_slice %arg10[%dma_wait3A_376, %dma_wait3A_377, %dma_wait3A_380, %dma_wait3A_381] : memref<2x2x200x64xf32, #tpu.memory_space<vmem>> -> memref<1x1x128x64xf32, #tpu.memory_space<vmem>>
      %dma_wait3A_383 = tpu.memref_squeeze %dma_wait3A_382 : memref<1x1x128x64xf32, #tpu.memory_space<vmem>> -> memref<128x64xf32, #tpu.memory_space<vmem>>
      %dma_wait3A_384 = arith.constant 0 : i32
      %dma_wait3A_385 = tpu.memref_slice %arg8[%dma_wait3A_384] : memref<25600xi32, #tpu.memory_space<vmem>> -> memref<128xi32, #tpu.memory_space<vmem>>
      %dma_wait3A_386 = arith.constant 0 : i32
      %dma_wait3A_387 = arith.constant 0 : i32
      %dma_wait3A_388 = tpu.memref_slice %arg9[%dma_wait3A_386, %dma_wait3A_387] : memref<200x64xf32, #tpu.memory_space<vmem_shared>> -> memref<200x64xf32, #tpu.memory_space<vmem_shared>>
      %dma_wait3A_389 = tpu.memref_slice %arg12[%dma_wait3A_378, %dma_wait3A_379] : memref<2x2x!tpu.dma_semaphore, #tpu.memory_space<semaphore_mem>> -> memref<1x1x!tpu.dma_semaphore, #tpu.memory_space<semaphore_mem>>
      %dma_wait3A_390 = tpu.memref_squeeze %dma_wait3A_389 : memref<1x1x!tpu.dma_semaphore, #tpu.memory_space<semaphore_mem>> -> memref<!tpu.dma_semaphore, #tpu.memory_space<semaphore_mem>>
      tpu.wait_indirect_dma semaphore(%dma_wait3A_390 : memref<!tpu.dma_semaphore, #tpu.memory_space<semaphore_mem>>) src(%dma_wait3A_388 : memref<200x64xf32, #tpu.memory_space<vmem_shared>>) dst(%dma_wait3A_383 : memref<128x64xf32, #tpu.memory_space<vmem>>)
      %dma_wait3A_391 = arith.constant 0 : i32
      %dma_wait3A_392 = arith.constant 0 : i32
      %dma_wait3A_393 = arith.constant 0 : i32
      %dma_wait3A_394 = arith.constant 0 : i32
      %dma_wait3A_395 = arith.constant 128 : i32
      %dma_wait3A_396 = arith.constant 0 : i32
      %dma_wait3A_397 = tpu.memref_slice %arg10[%dma_wait3A_391, %dma_wait3A_392, %dma_wait3A_395, %dma_wait3A_396] : memref<2x2x200x64xf32, #tpu.memory_space<vmem>> -> memref<1x1x72x64xf32, #tpu.memory_space<vmem>>
      %dma_wait3A_398 = tpu.memref_squeeze %dma_wait3A_397 : memref<1x1x72x64xf32, #tpu.memory_space<vmem>> -> memref<72x64xf32, #tpu.memory_space<vmem>>
      %dma_wait3A_399 = arith.constant 128 : i32
      %dma_wait3A_400 = tpu.memref_slice %arg8[%dma_wait3A_399] : memref<25600xi32, #tpu.memory_space<vmem>> -> memref<72xi32, #tpu.memory_space<vmem>>
      %dma_wait3A_401 = arith.constant 0 : i32
      %dma_wait3A_402 = arith.constant 0 : i32
      %dma_wait3A_403 = tpu.memref_slice %arg9[%dma_wait3A_401, %dma_wait3A_402] : memref<200x64xf32, #tpu.memory_space<vmem_shared>> -> memref<200x64xf32, #tpu.memory_space<vmem_shared>>
      %dma_wait3A_404 = tpu.memref_slice %arg12[%dma_wait3A_393, %dma_wait3A_394] : memref<2x2x!tpu.dma_semaphore, #tpu.memory_space<semaphore_mem>> -> memref<1x1x!tpu.dma_semaphore, #tpu.memory_space<semaphore_mem>>
      %dma_wait3A_405 = tpu.memref_squeeze %dma_wait3A_404 : memref<1x1x!tpu.dma_semaphore, #tpu.memory_space<semaphore_mem>> -> memref<!tpu.dma_semaphore, #tpu.memory_space<semaphore_mem>>
      tpu.wait_indirect_dma semaphore(%dma_wait3A_405 : memref<!tpu.dma_semaphore, #tpu.memory_space<semaphore_mem>>) src(%dma_wait3A_403 : memref<200x64xf32, #tpu.memory_space<vmem_shared>>) dst(%dma_wait3A_398 : memref<72x64xf32, #tpu.memory_space<vmem>>)
      %mul3A_406 = arith.constant 4 : i32
      %mul3A_407 = arith.muli %scan3A_114, %mul3A_406 : i32
      %add3A_408 = arith.constant 0 : i32
      %add3A_409 = arith.addi %mul3A_407, %add3A_408 : i32
      %add3A_410 = arith.constant 0 : i32
      %add3A_411 = arith.addi %add3A_409, %add3A_410 : i32
      %add3A_412 = arith.addi %mul3A_2, %add3A_411 : i32
      %dma_start3A_413 = arith.constant 0 : i32
      %dma_start3A_414 = arith.constant 0 : i32
      %dma_start3A_415 = arith.constant 0 : i32
      %dma_start3A_416 = arith.constant 0 : i32
      %dma_start3A_417 = arith.constant 0 : i32
      %dma_start3A_418 = arith.constant 0 : i32
      %dma_start3A_419 = tpu.memref_slice %arg10[%dma_start3A_413, %dma_start3A_414, %dma_start3A_417, %dma_start3A_418] : memref<2x2x200x64xf32, #tpu.memory_space<vmem>> -> memref<1x1x200x64xf32, #tpu.memory_space<vmem>>
      %dma_start3A_420 = tpu.memref_squeeze %dma_start3A_419 : memref<1x1x200x64xf32, #tpu.memory_space<vmem>> -> memref<200x64xf32, #tpu.memory_space<vmem>>
      %dma_start3A_421 = arith.constant 0 : i32
      %dma_start3A_422 = arith.constant 0 : i32
      %dma_start3A_423 = tpu.memref_slice %arg6[%add3A_412, %dma_start3A_421, %dma_start3A_422] : memref<4096x200x64xf32, #tpu.memory_space<hbm>> -> memref<1x200x64xf32, #tpu.memory_space<hbm>>
      %dma_start3A_424 = tpu.memref_squeeze %dma_start3A_423 : memref<1x200x64xf32, #tpu.memory_space<hbm>> -> memref<200x64xf32, #tpu.memory_space<hbm>>
      %dma_start3A_425 = tpu.memref_slice %arg13[%dma_start3A_415, %dma_start3A_416] : memref<2x2x!tpu.dma_semaphore, #tpu.memory_space<semaphore_mem>> -> memref<1x1x!tpu.dma_semaphore, #tpu.memory_space<semaphore_mem>>
      %dma_start3A_426 = tpu.memref_squeeze %dma_start3A_425 : memref<1x1x!tpu.dma_semaphore, #tpu.memory_space<semaphore_mem>> -> memref<!tpu.dma_semaphore, #tpu.memory_space<semaphore_mem>>
      %dma_start3A_427 = arith.constant 0 : i32
      %dma_start3A_428 = arith.constant 0 : i32
      %dma_start3A_429 = tpu.memref_slice %arg6[%add3A_412, %dma_start3A_427, %dma_start3A_428] : memref<4096x200x64xf32, #tpu.memory_space<hbm>> -> memref<1x200x64xf32, #tpu.memory_space<hbm>>
      %dma_start3A_430 = tpu.memref_squeeze %dma_start3A_429 : memref<1x200x64xf32, #tpu.memory_space<hbm>> -> memref<200x64xf32, #tpu.memory_space<hbm>>
      %dma_start3A_431 = arith.constant 0 : i32
      %dma_start3A_432 = arith.constant 0 : i32
      %dma_start3A_433 = tpu.memref_slice %arg10[%dma_start3A_413, %dma_start3A_414, %dma_start3A_431, %dma_start3A_432] : memref<2x2x200x64xf32, #tpu.memory_space<vmem>> -> memref<1x1x200x64xf32, #tpu.memory_space<vmem>>
      %dma_start3A_434 = tpu.memref_squeeze %dma_start3A_433 : memref<1x1x200x64xf32, #tpu.memory_space<vmem>> -> memref<200x64xf32, #tpu.memory_space<vmem>>
      tpu.enqueue_dma source(%dma_start3A_434 : memref<200x64xf32, #tpu.memory_space<vmem>>) target(%dma_start3A_430 : memref<200x64xf32, #tpu.memory_space<hbm>>) target_semaphore(%dma_start3A_426 : memref<!tpu.dma_semaphore, #tpu.memory_space<semaphore_mem>>)
      %dma_wait3A_435 = arith.constant 0 : i32
      %dma_wait3A_436 = arith.constant 1 : i32
      %dma_wait3A_437 = arith.constant 0 : i32
      %dma_wait3A_438 = arith.constant 1 : i32
      %dma_wait3A_439 = arith.constant 0 : i32
      %dma_wait3A_440 = arith.constant 0 : i32
      %dma_wait3A_441 = tpu.memref_slice %arg10[%dma_wait3A_435, %dma_wait3A_436, %dma_wait3A_439, %dma_wait3A_440] : memref<2x2x200x64xf32, #tpu.memory_space<vmem>> -> memref<1x1x128x64xf32, #tpu.memory_space<vmem>>
      %dma_wait3A_442 = tpu.memref_squeeze %dma_wait3A_441 : memref<1x1x128x64xf32, #tpu.memory_space<vmem>> -> memref<128x64xf32, #tpu.memory_space<vmem>>
      %dma_wait3A_443 = arith.constant 0 : i32
      %dma_wait3A_444 = tpu.memref_slice %arg8[%dma_wait3A_443] : memref<25600xi32, #tpu.memory_space<vmem>> -> memref<128xi32, #tpu.memory_space<vmem>>
      %dma_wait3A_445 = arith.constant 0 : i32
      %dma_wait3A_446 = arith.constant 0 : i32
      %dma_wait3A_447 = tpu.memref_slice %arg9[%dma_wait3A_445, %dma_wait3A_446] : memref<200x64xf32, #tpu.memory_space<vmem_shared>> -> memref<200x64xf32, #tpu.memory_space<vmem_shared>>
      %dma_wait3A_448 = tpu.memref_slice %arg12[%dma_wait3A_437, %dma_wait3A_438] : memref<2x2x!tpu.dma_semaphore, #tpu.memory_space<semaphore_mem>> -> memref<1x1x!tpu.dma_semaphore, #tpu.memory_space<semaphore_mem>>
      %dma_wait3A_449 = tpu.memref_squeeze %dma_wait3A_448 : memref<1x1x!tpu.dma_semaphore, #tpu.memory_space<semaphore_mem>> -> memref<!tpu.dma_semaphore, #tpu.memory_space<semaphore_mem>>
      tpu.wait_indirect_dma semaphore(%dma_wait3A_449 : memref<!tpu.dma_semaphore, #tpu.memory_space<semaphore_mem>>) src(%dma_wait3A_447 : memref<200x64xf32, #tpu.memory_space<vmem_shared>>) dst(%dma_wait3A_442 : memref<128x64xf32, #tpu.memory_space<vmem>>)
      %dma_wait3A_450 = arith.constant 0 : i32
      %dma_wait3A_451 = arith.constant 1 : i32
      %dma_wait3A_452 = arith.constant 0 : i32
      %dma_wait3A_453 = arith.constant 1 : i32
      %dma_wait3A_454 = arith.constant 128 : i32
      %dma_wait3A_455 = arith.constant 0 : i32
      %dma_wait3A_456 = tpu.memref_slice %arg10[%dma_wait3A_450, %dma_wait3A_451, %dma_wait3A_454, %dma_wait3A_455] : memref<2x2x200x64xf32, #tpu.memory_space<vmem>> -> memref<1x1x72x64xf32, #tpu.memory_space<vmem>>
      %dma_wait3A_457 = tpu.memref_squeeze %dma_wait3A_456 : memref<1x1x72x64xf32, #tpu.memory_space<vmem>> -> memref<72x64xf32, #tpu.memory_space<vmem>>
      %dma_wait3A_458 = arith.constant 128 : i32
      %dma_wait3A_459 = tpu.memref_slice %arg8[%dma_wait3A_458] : memref<25600xi32, #tpu.memory_space<vmem>> -> memref<72xi32, #tpu.memory_space<vmem>>
      %dma_wait3A_460 = arith.constant 0 : i32
      %dma_wait3A_461 = arith.constant 0 : i32
      %dma_wait3A_462 = tpu.memref_slice %arg9[%dma_wait3A_460, %dma_wait3A_461] : memref<200x64xf32, #tpu.memory_space<vmem_shared>> -> memref<200x64xf32, #tpu.memory_space<vmem_shared>>
      %dma_wait3A_463 = tpu.memref_slice %arg12[%dma_wait3A_452, %dma_wait3A_453] : memref<2x2x!tpu.dma_semaphore, #tpu.memory_space<semaphore_mem>> -> memref<1x1x!tpu.dma_semaphore, #tpu.memory_space<semaphore_mem>>
      %dma_wait3A_464 = tpu.memref_squeeze %dma_wait3A_463 : memref<1x1x!tpu.dma_semaphore, #tpu.memory_space<semaphore_mem>> -> memref<!tpu.dma_semaphore, #tpu.memory_space<semaphore_mem>>
      tpu.wait_indirect_dma semaphore(%dma_wait3A_464 : memref<!tpu.dma_semaphore, #tpu.memory_space<semaphore_mem>>) src(%dma_wait3A_462 : memref<200x64xf32, #tpu.memory_space<vmem_shared>>) dst(%dma_wait3A_457 : memref<72x64xf32, #tpu.memory_space<vmem>>)
      %mul3A_465 = arith.constant 4 : i32
      %mul3A_466 = arith.muli %scan3A_114, %mul3A_465 : i32
      %add3A_467 = arith.constant 0 : i32
      %add3A_468 = arith.addi %mul3A_466, %add3A_467 : i32
      %add3A_469 = arith.constant 1 : i32
      %add3A_470 = arith.addi %add3A_468, %add3A_469 : i32
      %add3A_471 = arith.addi %mul3A_2, %add3A_470 : i32
      %dma_start3A_472 = arith.constant 0 : i32
      %dma_start3A_473 = arith.constant 1 : i32
      %dma_start3A_474 = arith.constant 0 : i32
      %dma_start3A_475 = arith.constant 1 : i32
      %dma_start3A_476 = arith.constant 0 : i32
      %dma_start3A_477 = arith.constant 0 : i32
      %dma_start3A_478 = tpu.memref_slice %arg10[%dma_start3A_472, %dma_start3A_473, %dma_start3A_476, %dma_start3A_477] : memref<2x2x200x64xf32, #tpu.memory_space<vmem>> -> memref<1x1x200x64xf32, #tpu.memory_space<vmem>>
      %dma_start3A_479 = tpu.memref_squeeze %dma_start3A_478 : memref<1x1x200x64xf32, #tpu.memory_space<vmem>> -> memref<200x64xf32, #tpu.memory_space<vmem>>
      %dma_start3A_480 = arith.constant 0 : i32
      %dma_start3A_481 = arith.constant 0 : i32
      %dma_start3A_482 = tpu.memref_slice %arg6[%add3A_471, %dma_start3A_480, %dma_start3A_481] : memref<4096x200x64xf32, #tpu.memory_space<hbm>> -> memref<1x200x64xf32, #tpu.memory_space<hbm>>
      %dma_start3A_483 = tpu.memref_squeeze %dma_start3A_482 : memref<1x200x64xf32, #tpu.memory_space<hbm>> -> memref<200x64xf32, #tpu.memory_space<hbm>>
      %dma_start3A_484 = tpu.memref_slice %arg13[%dma_start3A_474, %dma_start3A_475] : memref<2x2x!tpu.dma_semaphore, #tpu.memory_space<semaphore_mem>> -> memref<1x1x!tpu.dma_semaphore, #tpu.memory_space<semaphore_mem>>
      %dma_start3A_485 = tpu.memref_squeeze %dma_start3A_484 : memref<1x1x!tpu.dma_semaphore, #tpu.memory_space<semaphore_mem>> -> memref<!tpu.dma_semaphore, #tpu.memory_space<semaphore_mem>>
      %dma_start3A_486 = arith.constant 0 : i32
      %dma_start3A_487 = arith.constant 0 : i32
      %dma_start3A_488 = tpu.memref_slice %arg6[%add3A_471, %dma_start3A_486, %dma_start3A_487] : memref<4096x200x64xf32, #tpu.memory_space<hbm>> -> memref<1x200x64xf32, #tpu.memory_space<hbm>>
      %dma_start3A_489 = tpu.memref_squeeze %dma_start3A_488 : memref<1x200x64xf32, #tpu.memory_space<hbm>> -> memref<200x64xf32, #tpu.memory_space<hbm>>
      %dma_start3A_490 = arith.constant 0 : i32
      %dma_start3A_491 = arith.constant 0 : i32
      %dma_start3A_492 = tpu.memref_slice %arg10[%dma_start3A_472, %dma_start3A_473, %dma_start3A_490, %dma_start3A_491] : memref<2x2x200x64xf32, #tpu.memory_space<vmem>> -> memref<1x1x200x64xf32, #tpu.memory_space<vmem>>
      %dma_start3A_493 = tpu.memref_squeeze %dma_start3A_492 : memref<1x1x200x64xf32, #tpu.memory_space<vmem>> -> memref<200x64xf32, #tpu.memory_space<vmem>>
      tpu.enqueue_dma source(%dma_start3A_493 : memref<200x64xf32, #tpu.memory_space<vmem>>) target(%dma_start3A_489 : memref<200x64xf32, #tpu.memory_space<hbm>>) target_semaphore(%dma_start3A_485 : memref<!tpu.dma_semaphore, #tpu.memory_space<semaphore_mem>>)
      %dma_wait3A_494 = arith.constant 1 : i32
      %dma_wait3A_495 = arith.constant 0 : i32
      %dma_wait3A_496 = arith.constant 1 : i32
      %dma_wait3A_497 = arith.constant 0 : i32
      %dma_wait3A_498 = arith.constant 0 : i32
      %dma_wait3A_499 = arith.constant 0 : i32
      %dma_wait3A_500 = tpu.memref_slice %arg10[%dma_wait3A_494, %dma_wait3A_495, %dma_wait3A_498, %dma_wait3A_499] : memref<2x2x200x64xf32, #tpu.memory_space<vmem>> -> memref<1x1x128x64xf32, #tpu.memory_space<vmem>>
      %dma_wait3A_501 = tpu.memref_squeeze %dma_wait3A_500 : memref<1x1x128x64xf32, #tpu.memory_space<vmem>> -> memref<128x64xf32, #tpu.memory_space<vmem>>
      %dma_wait3A_502 = arith.constant 0 : i32
      %dma_wait3A_503 = tpu.memref_slice %arg7[%dma_wait3A_502] : memref<25600xi32, #tpu.memory_space<vmem>> -> memref<128xi32, #tpu.memory_space<vmem>>
      %dma_wait3A_504 = arith.constant 0 : i32
      %dma_wait3A_505 = arith.constant 0 : i32
      %dma_wait3A_506 = tpu.memref_slice %arg4[%dma_wait3A_504, %dma_wait3A_505] : memref<1000000x64xf32, #tpu.memory_space<hbm>> -> memref<1000000x64xf32, #tpu.memory_space<hbm>>
      %dma_wait3A_507 = tpu.memref_slice %arg11[%dma_wait3A_496, %dma_wait3A_497] : memref<2x2x!tpu.dma_semaphore, #tpu.memory_space<semaphore_mem>> -> memref<1x1x!tpu.dma_semaphore, #tpu.memory_space<semaphore_mem>>
      %dma_wait3A_508 = tpu.memref_squeeze %dma_wait3A_507 : memref<1x1x!tpu.dma_semaphore, #tpu.memory_space<semaphore_mem>> -> memref<!tpu.dma_semaphore, #tpu.memory_space<semaphore_mem>>
      tpu.wait_indirect_dma semaphore(%dma_wait3A_508 : memref<!tpu.dma_semaphore, #tpu.memory_space<semaphore_mem>>) src(%dma_wait3A_506 : memref<1000000x64xf32, #tpu.memory_space<hbm>>) dst(%dma_wait3A_501 : memref<128x64xf32, #tpu.memory_space<vmem>>)
      %dma_wait3A_509 = arith.constant 1 : i32
      %dma_wait3A_510 = arith.constant 0 : i32
      %dma_wait3A_511 = arith.constant 1 : i32
      %dma_wait3A_512 = arith.constant 0 : i32
      %dma_wait3A_513 = arith.constant 128 : i32
      %dma_wait3A_514 = arith.constant 0 : i32
      %dma_wait3A_515 = tpu.memref_slice %arg10[%dma_wait3A_509, %dma_wait3A_510, %dma_wait3A_513, %dma_wait3A_514] : memref<2x2x200x64xf32, #tpu.memory_space<vmem>> -> memref<1x1x72x64xf32, #tpu.memory_space<vmem>>
      %dma_wait3A_516 = tpu.memref_squeeze %dma_wait3A_515 : memref<1x1x72x64xf32, #tpu.memory_space<vmem>> -> memref<72x64xf32, #tpu.memory_space<vmem>>
      %dma_wait3A_517 = arith.constant 128 : i32
      %dma_wait3A_518 = tpu.memref_slice %arg7[%dma_wait3A_517] : memref<25600xi32, #tpu.memory_space<vmem>> -> memref<72xi32, #tpu.memory_space<vmem>>
      %dma_wait3A_519 = arith.constant 0 : i32
      %dma_wait3A_520 = arith.constant 0 : i32
      %dma_wait3A_521 = tpu.memref_slice %arg4[%dma_wait3A_519, %dma_wait3A_520] : memref<1000000x64xf32, #tpu.memory_space<hbm>> -> memref<1000000x64xf32, #tpu.memory_space<hbm>>
      %dma_wait3A_522 = tpu.memref_slice %arg11[%dma_wait3A_511, %dma_wait3A_512] : memref<2x2x!tpu.dma_semaphore, #tpu.memory_space<semaphore_mem>> -> memref<1x1x!tpu.dma_semaphore, #tpu.memory_space<semaphore_mem>>
      %dma_wait3A_523 = tpu.memref_squeeze %dma_wait3A_522 : memref<1x1x!tpu.dma_semaphore, #tpu.memory_space<semaphore_mem>> -> memref<!tpu.dma_semaphore, #tpu.memory_space<semaphore_mem>>
      tpu.wait_indirect_dma semaphore(%dma_wait3A_523 : memref<!tpu.dma_semaphore, #tpu.memory_space<semaphore_mem>>) src(%dma_wait3A_521 : memref<1000000x64xf32, #tpu.memory_space<hbm>>) dst(%dma_wait3A_516 : memref<72x64xf32, #tpu.memory_space<vmem>>)
      %mul3A_524 = arith.constant 4 : i32
      %mul3A_525 = arith.muli %scan3A_114, %mul3A_524 : i32
      %add3A_526 = arith.constant 2 : i32
      %add3A_527 = arith.addi %mul3A_525, %add3A_526 : i32
      %add3A_528 = arith.constant 0 : i32
      %add3A_529 = arith.addi %add3A_527, %add3A_528 : i32
      %mul3A_530 = arith.constant 200 : i32
      %mul3A_531 = arith.muli %add3A_529, %mul3A_530 : i32
      %add3A_532 = arith.constant 0 : i32
      %add3A_533 = arith.addi %mul3A_531, %add3A_532 : i32
      %dma_start3A_534 = arith.constant 1 : i32
      %dma_start3A_535 = arith.constant 0 : i32
      %dma_start3A_536 = arith.constant 1 : i32
      %dma_start3A_537 = arith.constant 0 : i32
      %dma_start3A_538 = arith.constant 0 : i32
      %dma_start3A_539 = arith.constant 0 : i32
      %dma_start3A_540 = tpu.memref_slice %arg10[%dma_start3A_534, %dma_start3A_535, %dma_start3A_538, %dma_start3A_539] : memref<2x2x200x64xf32, #tpu.memory_space<vmem>> -> memref<1x1x128x64xf32, #tpu.memory_space<vmem>>
      %dma_start3A_541 = tpu.memref_squeeze %dma_start3A_540 : memref<1x1x128x64xf32, #tpu.memory_space<vmem>> -> memref<128x64xf32, #tpu.memory_space<vmem>>
      %dma_start3A_542 = tpu.memref_slice %arg8[%add3A_533] : memref<25600xi32, #tpu.memory_space<vmem>> -> memref<128xi32, #tpu.memory_space<vmem>>
      %dma_start3A_543 = arith.constant 0 : i32
      %dma_start3A_544 = arith.constant 0 : i32
      %dma_start3A_545 = tpu.memref_slice %arg9[%dma_start3A_543, %dma_start3A_544] : memref<200x64xf32, #tpu.memory_space<vmem_shared>> -> memref<200x64xf32, #tpu.memory_space<vmem_shared>>
      %dma_start3A_546 = tpu.memref_slice %arg12[%dma_start3A_536, %dma_start3A_537] : memref<2x2x!tpu.dma_semaphore, #tpu.memory_space<semaphore_mem>> -> memref<1x1x!tpu.dma_semaphore, #tpu.memory_space<semaphore_mem>>
      %dma_start3A_547 = tpu.memref_squeeze %dma_start3A_546 : memref<1x1x!tpu.dma_semaphore, #tpu.memory_space<semaphore_mem>> -> memref<!tpu.dma_semaphore, #tpu.memory_space<semaphore_mem>>
      tpu.enqueue_indirect_dma source(%dma_start3A_545 : memref<200x64xf32, #tpu.memory_space<vmem_shared>>) target(%dma_start3A_541 : memref<128x64xf32, #tpu.memory_space<vmem>>) offsets(%dma_start3A_542 : memref<128xi32, #tpu.memory_space<vmem>>) semaphore(%dma_start3A_547 : memref<!tpu.dma_semaphore, #tpu.memory_space<semaphore_mem>>) {add = true}
      %mul3A_548 = arith.constant 4 : i32
      %mul3A_549 = arith.muli %scan3A_114, %mul3A_548 : i32
      %add3A_550 = arith.constant 2 : i32
      %add3A_551 = arith.addi %mul3A_549, %add3A_550 : i32
      %add3A_552 = arith.constant 0 : i32
      %add3A_553 = arith.addi %add3A_551, %add3A_552 : i32
      %mul3A_554 = arith.constant 200 : i32
      %mul3A_555 = arith.muli %add3A_553, %mul3A_554 : i32
      %add3A_556 = arith.constant 128 : i32
      %add3A_557 = arith.addi %mul3A_555, %add3A_556 : i32
      %dma_start3A_558 = arith.constant 1 : i32
      %dma_start3A_559 = arith.constant 0 : i32
      %dma_start3A_560 = arith.constant 1 : i32
      %dma_start3A_561 = arith.constant 0 : i32
      %dma_start3A_562 = arith.constant 128 : i32
      %dma_start3A_563 = arith.constant 0 : i32
      %dma_start3A_564 = tpu.memref_slice %arg10[%dma_start3A_558, %dma_start3A_559, %dma_start3A_562, %dma_start3A_563] : memref<2x2x200x64xf32, #tpu.memory_space<vmem>> -> memref<1x1x72x64xf32, #tpu.memory_space<vmem>>
      %dma_start3A_565 = tpu.memref_squeeze %dma_start3A_564 : memref<1x1x72x64xf32, #tpu.memory_space<vmem>> -> memref<72x64xf32, #tpu.memory_space<vmem>>
      %dma_start3A_566 = tpu.memref_slice %arg8[%add3A_557] : memref<25600xi32, #tpu.memory_space<vmem>> -> memref<72xi32, #tpu.memory_space<vmem>>
      %dma_start3A_567 = arith.constant 0 : i32
      %dma_start3A_568 = arith.constant 0 : i32
      %dma_start3A_569 = tpu.memref_slice %arg9[%dma_start3A_567, %dma_start3A_568] : memref<200x64xf32, #tpu.memory_space<vmem_shared>> -> memref<200x64xf32, #tpu.memory_space<vmem_shared>>
      %dma_start3A_570 = tpu.memref_slice %arg12[%dma_start3A_560, %dma_start3A_561] : memref<2x2x!tpu.dma_semaphore, #tpu.memory_space<semaphore_mem>> -> memref<1x1x!tpu.dma_semaphore, #tpu.memory_space<semaphore_mem>>
      %dma_start3A_571 = tpu.memref_squeeze %dma_start3A_570 : memref<1x1x!tpu.dma_semaphore, #tpu.memory_space<semaphore_mem>> -> memref<!tpu.dma_semaphore, #tpu.memory_space<semaphore_mem>>
      tpu.enqueue_indirect_dma source(%dma_start3A_569 : memref<200x64xf32, #tpu.memory_space<vmem_shared>>) target(%dma_start3A_565 : memref<72x64xf32, #tpu.memory_space<vmem>>) offsets(%dma_start3A_566 : memref<72xi32, #tpu.memory_space<vmem>>) semaphore(%dma_start3A_571 : memref<!tpu.dma_semaphore, #tpu.memory_space<semaphore_mem>>) {add = true}
      %dma_wait3A_572 = arith.constant 1 : i32
      %dma_wait3A_573 = arith.constant 1 : i32
      %dma_wait3A_574 = arith.constant 1 : i32
      %dma_wait3A_575 = arith.constant 1 : i32
      %dma_wait3A_576 = arith.constant 0 : i32
      %dma_wait3A_577 = arith.constant 0 : i32
      %dma_wait3A_578 = tpu.memref_slice %arg10[%dma_wait3A_572, %dma_wait3A_573, %dma_wait3A_576, %dma_wait3A_577] : memref<2x2x200x64xf32, #tpu.memory_space<vmem>> -> memref<1x1x128x64xf32, #tpu.memory_space<vmem>>
      %dma_wait3A_579 = tpu.memref_squeeze %dma_wait3A_578 : memref<1x1x128x64xf32, #tpu.memory_space<vmem>> -> memref<128x64xf32, #tpu.memory_space<vmem>>
      %dma_wait3A_580 = arith.constant 0 : i32
      %dma_wait3A_581 = tpu.memref_slice %arg7[%dma_wait3A_580] : memref<25600xi32, #tpu.memory_space<vmem>> -> memref<128xi32, #tpu.memory_space<vmem>>
      %dma_wait3A_582 = arith.constant 0 : i32
      %dma_wait3A_583 = arith.constant 0 : i32
      %dma_wait3A_584 = tpu.memref_slice %arg4[%dma_wait3A_582, %dma_wait3A_583] : memref<1000000x64xf32, #tpu.memory_space<hbm>> -> memref<1000000x64xf32, #tpu.memory_space<hbm>>
      %dma_wait3A_585 = tpu.memref_slice %arg11[%dma_wait3A_574, %dma_wait3A_575] : memref<2x2x!tpu.dma_semaphore, #tpu.memory_space<semaphore_mem>> -> memref<1x1x!tpu.dma_semaphore, #tpu.memory_space<semaphore_mem>>
      %dma_wait3A_586 = tpu.memref_squeeze %dma_wait3A_585 : memref<1x1x!tpu.dma_semaphore, #tpu.memory_space<semaphore_mem>> -> memref<!tpu.dma_semaphore, #tpu.memory_space<semaphore_mem>>
      tpu.wait_indirect_dma semaphore(%dma_wait3A_586 : memref<!tpu.dma_semaphore, #tpu.memory_space<semaphore_mem>>) src(%dma_wait3A_584 : memref<1000000x64xf32, #tpu.memory_space<hbm>>) dst(%dma_wait3A_579 : memref<128x64xf32, #tpu.memory_space<vmem>>)
      %dma_wait3A_587 = arith.constant 1 : i32
      %dma_wait3A_588 = arith.constant 1 : i32
      %dma_wait3A_589 = arith.constant 1 : i32
      %dma_wait3A_590 = arith.constant 1 : i32
      %dma_wait3A_591 = arith.constant 128 : i32
      %dma_wait3A_592 = arith.constant 0 : i32
      %dma_wait3A_593 = tpu.memref_slice %arg10[%dma_wait3A_587, %dma_wait3A_588, %dma_wait3A_591, %dma_wait3A_592] : memref<2x2x200x64xf32, #tpu.memory_space<vmem>> -> memref<1x1x72x64xf32, #tpu.memory_space<vmem>>
      %dma_wait3A_594 = tpu.memref_squeeze %dma_wait3A_593 : memref<1x1x72x64xf32, #tpu.memory_space<vmem>> -> memref<72x64xf32, #tpu.memory_space<vmem>>
      %dma_wait3A_595 = arith.constant 128 : i32
      %dma_wait3A_596 = tpu.memref_slice %arg7[%dma_wait3A_595] : memref<25600xi32, #tpu.memory_space<vmem>> -> memref<72xi32, #tpu.memory_space<vmem>>
      %dma_wait3A_597 = arith.constant 0 : i32
      %dma_wait3A_598 = arith.constant 0 : i32
      %dma_wait3A_599 = tpu.memref_slice %arg4[%dma_wait3A_597, %dma_wait3A_598] : memref<1000000x64xf32, #tpu.memory_space<hbm>> -> memref<1000000x64xf32, #tpu.memory_space<hbm>>
      %dma_wait3A_600 = tpu.memref_slice %arg11[%dma_wait3A_589, %dma_wait3A_590] : memref<2x2x!tpu.dma_semaphore, #tpu.memory_space<semaphore_mem>> -> memref<1x1x!tpu.dma_semaphore, #tpu.memory_space<semaphore_mem>>
      %dma_wait3A_601 = tpu.memref_squeeze %dma_wait3A_600 : memref<1x1x!tpu.dma_semaphore, #tpu.memory_space<semaphore_mem>> -> memref<!tpu.dma_semaphore, #tpu.memory_space<semaphore_mem>>
      tpu.wait_indirect_dma semaphore(%dma_wait3A_601 : memref<!tpu.dma_semaphore, #tpu.memory_space<semaphore_mem>>) src(%dma_wait3A_599 : memref<1000000x64xf32, #tpu.memory_space<hbm>>) dst(%dma_wait3A_594 : memref<72x64xf32, #tpu.memory_space<vmem>>)
      %mul3A_602 = arith.constant 4 : i32
      %mul3A_603 = arith.muli %scan3A_114, %mul3A_602 : i32
      %add3A_604 = arith.constant 2 : i32
      %add3A_605 = arith.addi %mul3A_603, %add3A_604 : i32
      %add3A_606 = arith.constant 1 : i32
      %add3A_607 = arith.addi %add3A_605, %add3A_606 : i32
      %mul3A_608 = arith.constant 200 : i32
      %mul3A_609 = arith.muli %add3A_607, %mul3A_608 : i32
      %add3A_610 = arith.constant 0 : i32
      %add3A_611 = arith.addi %mul3A_609, %add3A_610 : i32
      %dma_start3A_612 = arith.constant 1 : i32
      %dma_start3A_613 = arith.constant 1 : i32
      %dma_start3A_614 = arith.constant 1 : i32
      %dma_start3A_615 = arith.constant 1 : i32
      %dma_start3A_616 = arith.constant 0 : i32
      %dma_start3A_617 = arith.constant 0 : i32
      %dma_start3A_618 = tpu.memref_slice %arg10[%dma_start3A_612, %dma_start3A_613, %dma_start3A_616, %dma_start3A_617] : memref<2x2x200x64xf32, #tpu.memory_space<vmem>> -> memref<1x1x128x64xf32, #tpu.memory_space<vmem>>
      %dma_start3A_619 = tpu.memref_squeeze %dma_start3A_618 : memref<1x1x128x64xf32, #tpu.memory_space<vmem>> -> memref<128x64xf32, #tpu.memory_space<vmem>>
      %dma_start3A_620 = tpu.memref_slice %arg8[%add3A_611] : memref<25600xi32, #tpu.memory_space<vmem>> -> memref<128xi32, #tpu.memory_space<vmem>>
      %dma_start3A_621 = arith.constant 0 : i32
      %dma_start3A_622 = arith.constant 0 : i32
      %dma_start3A_623 = tpu.memref_slice %arg9[%dma_start3A_621, %dma_start3A_622] : memref<200x64xf32, #tpu.memory_space<vmem_shared>> -> memref<200x64xf32, #tpu.memory_space<vmem_shared>>
      %dma_start3A_624 = tpu.memref_slice %arg12[%dma_start3A_614, %dma_start3A_615] : memref<2x2x!tpu.dma_semaphore, #tpu.memory_space<semaphore_mem>> -> memref<1x1x!tpu.dma_semaphore, #tpu.memory_space<semaphore_mem>>
      %dma_start3A_625 = tpu.memref_squeeze %dma_start3A_624 : memref<1x1x!tpu.dma_semaphore, #tpu.memory_space<semaphore_mem>> -> memref<!tpu.dma_semaphore, #tpu.memory_space<semaphore_mem>>
      tpu.enqueue_indirect_dma source(%dma_start3A_623 : memref<200x64xf32, #tpu.memory_space<vmem_shared>>) target(%dma_start3A_619 : memref<128x64xf32, #tpu.memory_space<vmem>>) offsets(%dma_start3A_620 : memref<128xi32, #tpu.memory_space<vmem>>) semaphore(%dma_start3A_625 : memref<!tpu.dma_semaphore, #tpu.memory_space<semaphore_mem>>) {add = true}
      %mul3A_626 = arith.constant 4 : i32
      %mul3A_627 = arith.muli %scan3A_114, %mul3A_626 : i32
      %add3A_628 = arith.constant 2 : i32
      %add3A_629 = arith.addi %mul3A_627, %add3A_628 : i32
      %add3A_630 = arith.constant 1 : i32
      %add3A_631 = arith.addi %add3A_629, %add3A_630 : i32
      %mul3A_632 = arith.constant 200 : i32
      %mul3A_633 = arith.muli %add3A_631, %mul3A_632 : i32
      %add3A_634 = arith.constant 128 : i32
      %add3A_635 = arith.addi %mul3A_633, %add3A_634 : i32
      %dma_start3A_636 = arith.constant 1 : i32
      %dma_start3A_637 = arith.constant 1 : i32
      %dma_start3A_638 = arith.constant 1 : i32
      %dma_start3A_639 = arith.constant 1 : i32
      %dma_start3A_640 = arith.constant 128 : i32
      %dma_start3A_641 = arith.constant 0 : i32
      %dma_start3A_642 = tpu.memref_slice %arg10[%dma_start3A_636, %dma_start3A_637, %dma_start3A_640, %dma_start3A_641] : memref<2x2x200x64xf32, #tpu.memory_space<vmem>> -> memref<1x1x72x64xf32, #tpu.memory_space<vmem>>
      %dma_start3A_643 = tpu.memref_squeeze %dma_start3A_642 : memref<1x1x72x64xf32, #tpu.memory_space<vmem>> -> memref<72x64xf32, #tpu.memory_space<vmem>>
      %dma_start3A_644 = tpu.memref_slice %arg8[%add3A_635] : memref<25600xi32, #tpu.memory_space<vmem>> -> memref<72xi32, #tpu.memory_space<vmem>>
      %dma_start3A_645 = arith.constant 0 : i32
      %dma_start3A_646 = arith.constant 0 : i32
      %dma_start3A_647 = tpu.memref_slice %arg9[%dma_start3A_645, %dma_start3A_646] : memref<200x64xf32, #tpu.memory_space<vmem_shared>> -> memref<200x64xf32, #tpu.memory_space<vmem_shared>>
      %dma_start3A_648 = tpu.memref_slice %arg12[%dma_start3A_638, %dma_start3A_639] : memref<2x2x!tpu.dma_semaphore, #tpu.memory_space<semaphore_mem>> -> memref<1x1x!tpu.dma_semaphore, #tpu.memory_space<semaphore_mem>>
      %dma_start3A_649 = tpu.memref_squeeze %dma_start3A_648 : memref<1x1x!tpu.dma_semaphore, #tpu.memory_space<semaphore_mem>> -> memref<!tpu.dma_semaphore, #tpu.memory_space<semaphore_mem>>
      tpu.enqueue_indirect_dma source(%dma_start3A_647 : memref<200x64xf32, #tpu.memory_space<vmem_shared>>) target(%dma_start3A_643 : memref<72x64xf32, #tpu.memory_space<vmem>>) offsets(%dma_start3A_644 : memref<72xi32, #tpu.memory_space<vmem>>) semaphore(%dma_start3A_649 : memref<!tpu.dma_semaphore, #tpu.memory_space<semaphore_mem>>) {add = true}
      %dma_wait3A_650 = arith.constant 0 : i32
      %dma_wait3A_651 = arith.constant 0 : i32
      %dma_wait3A_652 = arith.constant 0 : i32
      %dma_wait3A_653 = arith.constant 0 : i32
      %dma_wait3A_654 = arith.constant 0 : i32
      %dma_wait3A_655 = arith.constant 0 : i32
      %dma_wait3A_656 = tpu.memref_slice %arg10[%dma_wait3A_650, %dma_wait3A_651, %dma_wait3A_654, %dma_wait3A_655] : memref<2x2x200x64xf32, #tpu.memory_space<vmem>> -> memref<1x1x200x64xf32, #tpu.memory_space<vmem>>
      %dma_wait3A_657 = tpu.memref_squeeze %dma_wait3A_656 : memref<1x1x200x64xf32, #tpu.memory_space<vmem>> -> memref<200x64xf32, #tpu.memory_space<vmem>>
      %dma_wait3A_658 = arith.constant 0 : i32
      %dma_wait3A_659 = arith.constant 0 : i32
      %dma_wait3A_660 = tpu.memref_slice %arg6[%mul3A_2, %dma_wait3A_658, %dma_wait3A_659] : memref<4096x200x64xf32, #tpu.memory_space<hbm>> -> memref<1x200x64xf32, #tpu.memory_space<hbm>>
      %dma_wait3A_661 = tpu.memref_squeeze %dma_wait3A_660 : memref<1x200x64xf32, #tpu.memory_space<hbm>> -> memref<200x64xf32, #tpu.memory_space<hbm>>
      %dma_wait3A_662 = tpu.memref_slice %arg13[%dma_wait3A_652, %dma_wait3A_653] : memref<2x2x!tpu.dma_semaphore, #tpu.memory_space<semaphore_mem>> -> memref<1x1x!tpu.dma_semaphore, #tpu.memory_space<semaphore_mem>>
      %dma_wait3A_663 = tpu.memref_squeeze %dma_wait3A_662 : memref<1x1x!tpu.dma_semaphore, #tpu.memory_space<semaphore_mem>> -> memref<!tpu.dma_semaphore, #tpu.memory_space<semaphore_mem>>
      %dma_wait3A_664 = arith.constant 0 : i32
      %dma_wait3A_665 = arith.constant 0 : i32
      %dma_wait3A_666 = tpu.memref_slice %arg6[%mul3A_2, %dma_wait3A_664, %dma_wait3A_665] : memref<4096x200x64xf32, #tpu.memory_space<hbm>> -> memref<1x200x64xf32, #tpu.memory_space<hbm>>
      %dma_wait3A_667 = tpu.memref_squeeze %dma_wait3A_666 : memref<1x200x64xf32, #tpu.memory_space<hbm>> -> memref<200x64xf32, #tpu.memory_space<hbm>>
      %dma_wait3A_668 = arith.constant 0 : i32
      %dma_wait3A_669 = arith.constant 0 : i32
      %dma_wait3A_670 = tpu.memref_slice %arg10[%dma_wait3A_650, %dma_wait3A_651, %dma_wait3A_668, %dma_wait3A_669] : memref<2x2x200x64xf32, #tpu.memory_space<vmem>> -> memref<1x1x200x64xf32, #tpu.memory_space<vmem>>
      %dma_wait3A_671 = tpu.memref_squeeze %dma_wait3A_670 : memref<1x1x200x64xf32, #tpu.memory_space<vmem>> -> memref<200x64xf32, #tpu.memory_space<vmem>>
      tpu.wait_dma2 semaphore(%dma_wait3A_663 : memref<!tpu.dma_semaphore, #tpu.memory_space<semaphore_mem>>) src(%dma_wait3A_671 : memref<200x64xf32, #tpu.memory_space<vmem>>) dst(%dma_wait3A_667 : memref<200x64xf32, #tpu.memory_space<hbm>>)
      %lt3A = arith.constant 31 : i32
      %lt3A_672 = arith.cmpi slt, %scan3A_114, %lt3A : i32
      %convert_element_type3A_673 = arith.extui %lt3A_672 : i1 to i32
      %cond3A_674 = arith.constant 0 : i32
      %cond3A_675 = arith.cmpi ne, %convert_element_type3A_673, %cond3A_674 : i32
      scf.if %cond3A_675 {
        %add3A_821 = arith.constant 1 : i32
        %add3A_822 = arith.addi %scan3A_114, %add3A_821 : i32
        %mul3A_823 = arith.constant 4 : i32
        %mul3A_824 = arith.muli %add3A_822, %mul3A_823 : i32
        %add3A_825 = arith.constant 0 : i32
        %add3A_826 = arith.addi %mul3A_824, %add3A_825 : i32
        %add3A_827 = arith.constant 0 : i32
        %add3A_828 = arith.addi %add3A_826, %add3A_827 : i32
        %mul3A_829 = arith.constant 200 : i32
        %mul3A_830 = arith.muli %add3A_828, %mul3A_829 : i32
        %add3A_831 = arith.constant 0 : i32
        %add3A_832 = arith.addi %mul3A_830, %add3A_831 : i32
        %dma_start3A_833 = arith.constant 0 : i32
        %dma_start3A_834 = arith.constant 0 : i32
        %dma_start3A_835 = arith.constant 0 : i32
        %dma_start3A_836 = arith.constant 0 : i32
        %dma_start3A_837 = arith.constant 0 : i32
        %dma_start3A_838 = arith.constant 0 : i32
        %dma_start3A_839 = tpu.memref_slice %arg10[%dma_start3A_833, %dma_start3A_834, %dma_start3A_837, %dma_start3A_838] : memref<2x2x200x64xf32, #tpu.memory_space<vmem>> -> memref<1x1x128x64xf32, #tpu.memory_space<vmem>>
        %dma_start3A_840 = tpu.memref_squeeze %dma_start3A_839 : memref<1x1x128x64xf32, #tpu.memory_space<vmem>> -> memref<128x64xf32, #tpu.memory_space<vmem>>
        %dma_start3A_841 = tpu.memref_slice %arg7[%add3A_832] : memref<25600xi32, #tpu.memory_space<vmem>> -> memref<128xi32, #tpu.memory_space<vmem>>
        %dma_start3A_842 = arith.constant 0 : i32
        %dma_start3A_843 = arith.constant 0 : i32
        %dma_start3A_844 = tpu.memref_slice %arg4[%dma_start3A_842, %dma_start3A_843] : memref<1000000x64xf32, #tpu.memory_space<hbm>> -> memref<1000000x64xf32, #tpu.memory_space<hbm>>
        %dma_start3A_845 = tpu.memref_slice %arg11[%dma_start3A_835, %dma_start3A_836] : memref<2x2x!tpu.dma_semaphore, #tpu.memory_space<semaphore_mem>> -> memref<1x1x!tpu.dma_semaphore, #tpu.memory_space<semaphore_mem>>
        %dma_start3A_846 = tpu.memref_squeeze %dma_start3A_845 : memref<1x1x!tpu.dma_semaphore, #tpu.memory_space<semaphore_mem>> -> memref<!tpu.dma_semaphore, #tpu.memory_space<semaphore_mem>>
        tpu.enqueue_indirect_dma source(%dma_start3A_844 : memref<1000000x64xf32, #tpu.memory_space<hbm>>) target(%dma_start3A_840 : memref<128x64xf32, #tpu.memory_space<vmem>>) offsets(%dma_start3A_841 : memref<128xi32, #tpu.memory_space<vmem>>) semaphore(%dma_start3A_846 : memref<!tpu.dma_semaphore, #tpu.memory_space<semaphore_mem>>)
        %mul3A_847 = arith.constant 4 : i32
        %mul3A_848 = arith.muli %add3A_822, %mul3A_847 : i32
        %add3A_849 = arith.constant 0 : i32
        %add3A_850 = arith.addi %mul3A_848, %add3A_849 : i32
        %add3A_851 = arith.constant 0 : i32
        %add3A_852 = arith.addi %add3A_850, %add3A_851 : i32
        %mul3A_853 = arith.constant 200 : i32
        %mul3A_854 = arith.muli %add3A_852, %mul3A_853 : i32
        %add3A_855 = arith.constant 128 : i32
        %add3A_856 = arith.addi %mul3A_854, %add3A_855 : i32
        %dma_start3A_857 = arith.constant 0 : i32
        %dma_start3A_858 = arith.constant 0 : i32
        %dma_start3A_859 = arith.constant 0 : i32
        %dma_start3A_860 = arith.constant 0 : i32
        %dma_start3A_861 = arith.constant 128 : i32
        %dma_start3A_862 = arith.constant 0 : i32
        %dma_start3A_863 = tpu.memref_slice %arg10[%dma_start3A_857, %dma_start3A_858, %dma_start3A_861, %dma_start3A_862] : memref<2x2x200x64xf32, #tpu.memory_space<vmem>> -> memref<1x1x72x64xf32, #tpu.memory_space<vmem>>
        %dma_start3A_864 = tpu.memref_squeeze %dma_start3A_863 : memref<1x1x72x64xf32, #tpu.memory_space<vmem>> -> memref<72x64xf32, #tpu.memory_space<vmem>>
        %dma_start3A_865 = tpu.memref_slice %arg7[%add3A_856] : memref<25600xi32, #tpu.memory_space<vmem>> -> memref<72xi32, #tpu.memory_space<vmem>>
        %dma_start3A_866 = arith.constant 0 : i32
        %dma_start3A_867 = arith.constant 0 : i32
        %dma_start3A_868 = tpu.memref_slice %arg4[%dma_start3A_866, %dma_start3A_867] : memref<1000000x64xf32, #tpu.memory_space<hbm>> -> memref<1000000x64xf32, #tpu.memory_space<hbm>>
        %dma_start3A_869 = tpu.memref_slice %arg11[%dma_start3A_859, %dma_start3A_860] : memref<2x2x!tpu.dma_semaphore, #tpu.memory_space<semaphore_mem>> -> memref<1x1x!tpu.dma_semaphore, #tpu.memory_space<semaphore_mem>>
        %dma_start3A_870 = tpu.memref_squeeze %dma_start3A_869 : memref<1x1x!tpu.dma_semaphore, #tpu.memory_space<semaphore_mem>> -> memref<!tpu.dma_semaphore, #tpu.memory_space<semaphore_mem>>
        tpu.enqueue_indirect_dma source(%dma_start3A_868 : memref<1000000x64xf32, #tpu.memory_space<hbm>>) target(%dma_start3A_864 : memref<72x64xf32, #tpu.memory_space<vmem>>) offsets(%dma_start3A_865 : memref<72xi32, #tpu.memory_space<vmem>>) semaphore(%dma_start3A_870 : memref<!tpu.dma_semaphore, #tpu.memory_space<semaphore_mem>>)
      } else {
      }
      %dma_wait3A_676 = arith.constant 0 : i32
      %dma_wait3A_677 = arith.constant 1 : i32
      %dma_wait3A_678 = arith.constant 0 : i32
      %dma_wait3A_679 = arith.constant 1 : i32
      %dma_wait3A_680 = arith.constant 0 : i32
      %dma_wait3A_681 = arith.constant 0 : i32
      %dma_wait3A_682 = tpu.memref_slice %arg10[%dma_wait3A_676, %dma_wait3A_677, %dma_wait3A_680, %dma_wait3A_681] : memref<2x2x200x64xf32, #tpu.memory_space<vmem>> -> memref<1x1x200x64xf32, #tpu.memory_space<vmem>>
      %dma_wait3A_683 = tpu.memref_squeeze %dma_wait3A_682 : memref<1x1x200x64xf32, #tpu.memory_space<vmem>> -> memref<200x64xf32, #tpu.memory_space<vmem>>
      %dma_wait3A_684 = arith.constant 0 : i32
      %dma_wait3A_685 = arith.constant 0 : i32
      %dma_wait3A_686 = tpu.memref_slice %arg6[%mul3A_2, %dma_wait3A_684, %dma_wait3A_685] : memref<4096x200x64xf32, #tpu.memory_space<hbm>> -> memref<1x200x64xf32, #tpu.memory_space<hbm>>
      %dma_wait3A_687 = tpu.memref_squeeze %dma_wait3A_686 : memref<1x200x64xf32, #tpu.memory_space<hbm>> -> memref<200x64xf32, #tpu.memory_space<hbm>>
      %dma_wait3A_688 = tpu.memref_slice %arg13[%dma_wait3A_678, %dma_wait3A_679] : memref<2x2x!tpu.dma_semaphore, #tpu.memory_space<semaphore_mem>> -> memref<1x1x!tpu.dma_semaphore, #tpu.memory_space<semaphore_mem>>
      %dma_wait3A_689 = tpu.memref_squeeze %dma_wait3A_688 : memref<1x1x!tpu.dma_semaphore, #tpu.memory_space<semaphore_mem>> -> memref<!tpu.dma_semaphore, #tpu.memory_space<semaphore_mem>>
      %dma_wait3A_690 = arith.constant 0 : i32
      %dma_wait3A_691 = arith.constant 0 : i32
      %dma_wait3A_692 = tpu.memref_slice %arg6[%mul3A_2, %dma_wait3A_690, %dma_wait3A_691] : memref<4096x200x64xf32, #tpu.memory_space<hbm>> -> memref<1x200x64xf32, #tpu.memory_space<hbm>>
      %dma_wait3A_693 = tpu.memref_squeeze %dma_wait3A_692 : memref<1x200x64xf32, #tpu.memory_space<hbm>> -> memref<200x64xf32, #tpu.memory_space<hbm>>
      %dma_wait3A_694 = arith.constant 0 : i32
      %dma_wait3A_695 = arith.constant 0 : i32
      %dma_wait3A_696 = tpu.memref_slice %arg10[%dma_wait3A_676, %dma_wait3A_677, %dma_wait3A_694, %dma_wait3A_695] : memref<2x2x200x64xf32, #tpu.memory_space<vmem>> -> memref<1x1x200x64xf32, #tpu.memory_space<vmem>>
      %dma_wait3A_697 = tpu.memref_squeeze %dma_wait3A_696 : memref<1x1x200x64xf32, #tpu.memory_space<vmem>> -> memref<200x64xf32, #tpu.memory_space<vmem>>
      tpu.wait_dma2 semaphore(%dma_wait3A_689 : memref<!tpu.dma_semaphore, #tpu.memory_space<semaphore_mem>>) src(%dma_wait3A_697 : memref<200x64xf32, #tpu.memory_space<vmem>>) dst(%dma_wait3A_693 : memref<200x64xf32, #tpu.memory_space<hbm>>)
      %lt3A_698 = arith.constant 31 : i32
      %lt3A_699 = arith.cmpi slt, %scan3A_114, %lt3A_698 : i32
      %convert_element_type3A_700 = arith.extui %lt3A_699 : i1 to i32
      %cond3A_701 = arith.constant 0 : i32
      %cond3A_702 = arith.cmpi ne, %convert_element_type3A_700, %cond3A_701 : i32
      scf.if %cond3A_702 {
        %add3A_821 = arith.constant 1 : i32
        %add3A_822 = arith.addi %scan3A_114, %add3A_821 : i32
        %mul3A_823 = arith.constant 4 : i32
        %mul3A_824 = arith.muli %add3A_822, %mul3A_823 : i32
        %add3A_825 = arith.constant 0 : i32
        %add3A_826 = arith.addi %mul3A_824, %add3A_825 : i32
        %add3A_827 = arith.constant 1 : i32
        %add3A_828 = arith.addi %add3A_826, %add3A_827 : i32
        %mul3A_829 = arith.constant 200 : i32
        %mul3A_830 = arith.muli %add3A_828, %mul3A_829 : i32
        %add3A_831 = arith.constant 0 : i32
        %add3A_832 = arith.addi %mul3A_830, %add3A_831 : i32
        %dma_start3A_833 = arith.constant 0 : i32
        %dma_start3A_834 = arith.constant 1 : i32
        %dma_start3A_835 = arith.constant 0 : i32
        %dma_start3A_836 = arith.constant 1 : i32
        %dma_start3A_837 = arith.constant 0 : i32
        %dma_start3A_838 = arith.constant 0 : i32
        %dma_start3A_839 = tpu.memref_slice %arg10[%dma_start3A_833, %dma_start3A_834, %dma_start3A_837, %dma_start3A_838] : memref<2x2x200x64xf32, #tpu.memory_space<vmem>> -> memref<1x1x128x64xf32, #tpu.memory_space<vmem>>
        %dma_start3A_840 = tpu.memref_squeeze %dma_start3A_839 : memref<1x1x128x64xf32, #tpu.memory_space<vmem>> -> memref<128x64xf32, #tpu.memory_space<vmem>>
        %dma_start3A_841 = tpu.memref_slice %arg7[%add3A_832] : memref<25600xi32, #tpu.memory_space<vmem>> -> memref<128xi32, #tpu.memory_space<vmem>>
        %dma_start3A_842 = arith.constant 0 : i32
        %dma_start3A_843 = arith.constant 0 : i32
        %dma_start3A_844 = tpu.memref_slice %arg4[%dma_start3A_842, %dma_start3A_843] : memref<1000000x64xf32, #tpu.memory_space<hbm>> -> memref<1000000x64xf32, #tpu.memory_space<hbm>>
        %dma_start3A_845 = tpu.memref_slice %arg11[%dma_start3A_835, %dma_start3A_836] : memref<2x2x!tpu.dma_semaphore, #tpu.memory_space<semaphore_mem>> -> memref<1x1x!tpu.dma_semaphore, #tpu.memory_space<semaphore_mem>>
        %dma_start3A_846 = tpu.memref_squeeze %dma_start3A_845 : memref<1x1x!tpu.dma_semaphore, #tpu.memory_space<semaphore_mem>> -> memref<!tpu.dma_semaphore, #tpu.memory_space<semaphore_mem>>
        tpu.enqueue_indirect_dma source(%dma_start3A_844 : memref<1000000x64xf32, #tpu.memory_space<hbm>>) target(%dma_start3A_840 : memref<128x64xf32, #tpu.memory_space<vmem>>) offsets(%dma_start3A_841 : memref<128xi32, #tpu.memory_space<vmem>>) semaphore(%dma_start3A_846 : memref<!tpu.dma_semaphore, #tpu.memory_space<semaphore_mem>>)
        %mul3A_847 = arith.constant 4 : i32
        %mul3A_848 = arith.muli %add3A_822, %mul3A_847 : i32
        %add3A_849 = arith.constant 0 : i32
        %add3A_850 = arith.addi %mul3A_848, %add3A_849 : i32
        %add3A_851 = arith.constant 1 : i32
        %add3A_852 = arith.addi %add3A_850, %add3A_851 : i32
        %mul3A_853 = arith.constant 200 : i32
        %mul3A_854 = arith.muli %add3A_852, %mul3A_853 : i32
        %add3A_855 = arith.constant 128 : i32
        %add3A_856 = arith.addi %mul3A_854, %add3A_855 : i32
        %dma_start3A_857 = arith.constant 0 : i32
        %dma_start3A_858 = arith.constant 1 : i32
        %dma_start3A_859 = arith.constant 0 : i32
        %dma_start3A_860 = arith.constant 1 : i32
        %dma_start3A_861 = arith.constant 128 : i32
        %dma_start3A_862 = arith.constant 0 : i32
        %dma_start3A_863 = tpu.memref_slice %arg10[%dma_start3A_857, %dma_start3A_858, %dma_start3A_861, %dma_start3A_862] : memref<2x2x200x64xf32, #tpu.memory_space<vmem>> -> memref<1x1x72x64xf32, #tpu.memory_space<vmem>>
        %dma_start3A_864 = tpu.memref_squeeze %dma_start3A_863 : memref<1x1x72x64xf32, #tpu.memory_space<vmem>> -> memref<72x64xf32, #tpu.memory_space<vmem>>
        %dma_start3A_865 = tpu.memref_slice %arg7[%add3A_856] : memref<25600xi32, #tpu.memory_space<vmem>> -> memref<72xi32, #tpu.memory_space<vmem>>
        %dma_start3A_866 = arith.constant 0 : i32
        %dma_start3A_867 = arith.constant 0 : i32
        %dma_start3A_868 = tpu.memref_slice %arg4[%dma_start3A_866, %dma_start3A_867] : memref<1000000x64xf32, #tpu.memory_space<hbm>> -> memref<1000000x64xf32, #tpu.memory_space<hbm>>
        %dma_start3A_869 = tpu.memref_slice %arg11[%dma_start3A_859, %dma_start3A_860] : memref<2x2x!tpu.dma_semaphore, #tpu.memory_space<semaphore_mem>> -> memref<1x1x!tpu.dma_semaphore, #tpu.memory_space<semaphore_mem>>
        %dma_start3A_870 = tpu.memref_squeeze %dma_start3A_869 : memref<1x1x!tpu.dma_semaphore, #tpu.memory_space<semaphore_mem>> -> memref<!tpu.dma_semaphore, #tpu.memory_space<semaphore_mem>>
        tpu.enqueue_indirect_dma source(%dma_start3A_868 : memref<1000000x64xf32, #tpu.memory_space<hbm>>) target(%dma_start3A_864 : memref<72x64xf32, #tpu.memory_space<vmem>>) offsets(%dma_start3A_865 : memref<72xi32, #tpu.memory_space<vmem>>) semaphore(%dma_start3A_870 : memref<!tpu.dma_semaphore, #tpu.memory_space<semaphore_mem>>)
      } else {
      }
      %dma_wait3A_703 = arith.constant 1 : i32
      %dma_wait3A_704 = arith.constant 0 : i32
      %dma_wait3A_705 = arith.constant 1 : i32
      %dma_wait3A_706 = arith.constant 0 : i32
      %dma_wait3A_707 = arith.constant 0 : i32
      %dma_wait3A_708 = arith.constant 0 : i32
      %dma_wait3A_709 = tpu.memref_slice %arg10[%dma_wait3A_703, %dma_wait3A_704, %dma_wait3A_707, %dma_wait3A_708] : memref<2x2x200x64xf32, #tpu.memory_space<vmem>> -> memref<1x1x128x64xf32, #tpu.memory_space<vmem>>
      %dma_wait3A_710 = tpu.memref_squeeze %dma_wait3A_709 : memref<1x1x128x64xf32, #tpu.memory_space<vmem>> -> memref<128x64xf32, #tpu.memory_space<vmem>>
      %dma_wait3A_711 = arith.constant 0 : i32
      %dma_wait3A_712 = tpu.memref_slice %arg8[%dma_wait3A_711] : memref<25600xi32, #tpu.memory_space<vmem>> -> memref<128xi32, #tpu.memory_space<vmem>>
      %dma_wait3A_713 = arith.constant 0 : i32
      %dma_wait3A_714 = arith.constant 0 : i32
      %dma_wait3A_715 = tpu.memref_slice %arg9[%dma_wait3A_713, %dma_wait3A_714] : memref<200x64xf32, #tpu.memory_space<vmem_shared>> -> memref<200x64xf32, #tpu.memory_space<vmem_shared>>
      %dma_wait3A_716 = tpu.memref_slice %arg12[%dma_wait3A_705, %dma_wait3A_706] : memref<2x2x!tpu.dma_semaphore, #tpu.memory_space<semaphore_mem>> -> memref<1x1x!tpu.dma_semaphore, #tpu.memory_space<semaphore_mem>>
      %dma_wait3A_717 = tpu.memref_squeeze %dma_wait3A_716 : memref<1x1x!tpu.dma_semaphore, #tpu.memory_space<semaphore_mem>> -> memref<!tpu.dma_semaphore, #tpu.memory_space<semaphore_mem>>
      tpu.wait_indirect_dma semaphore(%dma_wait3A_717 : memref<!tpu.dma_semaphore, #tpu.memory_space<semaphore_mem>>) src(%dma_wait3A_715 : memref<200x64xf32, #tpu.memory_space<vmem_shared>>) dst(%dma_wait3A_710 : memref<128x64xf32, #tpu.memory_space<vmem>>)
      %dma_wait3A_718 = arith.constant 1 : i32
      %dma_wait3A_719 = arith.constant 0 : i32
      %dma_wait3A_720 = arith.constant 1 : i32
      %dma_wait3A_721 = arith.constant 0 : i32
      %dma_wait3A_722 = arith.constant 128 : i32
      %dma_wait3A_723 = arith.constant 0 : i32
      %dma_wait3A_724 = tpu.memref_slice %arg10[%dma_wait3A_718, %dma_wait3A_719, %dma_wait3A_722, %dma_wait3A_723] : memref<2x2x200x64xf32, #tpu.memory_space<vmem>> -> memref<1x1x72x64xf32, #tpu.memory_space<vmem>>
      %dma_wait3A_725 = tpu.memref_squeeze %dma_wait3A_724 : memref<1x1x72x64xf32, #tpu.memory_space<vmem>> -> memref<72x64xf32, #tpu.memory_space<vmem>>
      %dma_wait3A_726 = arith.constant 128 : i32
      %dma_wait3A_727 = tpu.memref_slice %arg8[%dma_wait3A_726] : memref<25600xi32, #tpu.memory_space<vmem>> -> memref<72xi32, #tpu.memory_space<vmem>>
      %dma_wait3A_728 = arith.constant 0 : i32
      %dma_wait3A_729 = arith.constant 0 : i32
      %dma_wait3A_730 = tpu.memref_slice %arg9[%dma_wait3A_728, %dma_wait3A_729] : memref<200x64xf32, #tpu.memory_space<vmem_shared>> -> memref<200x64xf32, #tpu.memory_space<vmem_shared>>
      %dma_wait3A_731 = tpu.memref_slice %arg12[%dma_wait3A_720, %dma_wait3A_721] : memref<2x2x!tpu.dma_semaphore, #tpu.memory_space<semaphore_mem>> -> memref<1x1x!tpu.dma_semaphore, #tpu.memory_space<semaphore_mem>>
      %dma_wait3A_732 = tpu.memref_squeeze %dma_wait3A_731 : memref<1x1x!tpu.dma_semaphore, #tpu.memory_space<semaphore_mem>> -> memref<!tpu.dma_semaphore, #tpu.memory_space<semaphore_mem>>
      tpu.wait_indirect_dma semaphore(%dma_wait3A_732 : memref<!tpu.dma_semaphore, #tpu.memory_space<semaphore_mem>>) src(%dma_wait3A_730 : memref<200x64xf32, #tpu.memory_space<vmem_shared>>) dst(%dma_wait3A_725 : memref<72x64xf32, #tpu.memory_space<vmem>>)
      %mul3A_733 = arith.constant 4 : i32
      %mul3A_734 = arith.muli %scan3A_114, %mul3A_733 : i32
      %add3A_735 = arith.constant 2 : i32
      %add3A_736 = arith.addi %mul3A_734, %add3A_735 : i32
      %add3A_737 = arith.constant 0 : i32
      %add3A_738 = arith.addi %add3A_736, %add3A_737 : i32
      %add3A_739 = arith.addi %mul3A_2, %add3A_738 : i32
      %dma_start3A_740 = arith.constant 1 : i32
      %dma_start3A_741 = arith.constant 0 : i32
      %dma_start3A_742 = arith.constant 1 : i32
      %dma_start3A_743 = arith.constant 0 : i32
      %dma_start3A_744 = arith.constant 0 : i32
      %dma_start3A_745 = arith.constant 0 : i32
      %dma_start3A_746 = tpu.memref_slice %arg10[%dma_start3A_740, %dma_start3A_741, %dma_start3A_744, %dma_start3A_745] : memref<2x2x200x64xf32, #tpu.memory_space<vmem>> -> memref<1x1x200x64xf32, #tpu.memory_space<vmem>>
      %dma_start3A_747 = tpu.memref_squeeze %dma_start3A_746 : memref<1x1x200x64xf32, #tpu.memory_space<vmem>> -> memref<200x64xf32, #tpu.memory_space<vmem>>
      %dma_start3A_748 = arith.constant 0 : i32
      %dma_start3A_749 = arith.constant 0 : i32
      %dma_start3A_750 = tpu.memref_slice %arg6[%add3A_739, %dma_start3A_748, %dma_start3A_749] : memref<4096x200x64xf32, #tpu.memory_space<hbm>> -> memref<1x200x64xf32, #tpu.memory_space<hbm>>
      %dma_start3A_751 = tpu.memref_squeeze %dma_start3A_750 : memref<1x200x64xf32, #tpu.memory_space<hbm>> -> memref<200x64xf32, #tpu.memory_space<hbm>>
      %dma_start3A_752 = tpu.memref_slice %arg13[%dma_start3A_742, %dma_start3A_743] : memref<2x2x!tpu.dma_semaphore, #tpu.memory_space<semaphore_mem>> -> memref<1x1x!tpu.dma_semaphore, #tpu.memory_space<semaphore_mem>>
      %dma_start3A_753 = tpu.memref_squeeze %dma_start3A_752 : memref<1x1x!tpu.dma_semaphore, #tpu.memory_space<semaphore_mem>> -> memref<!tpu.dma_semaphore, #tpu.memory_space<semaphore_mem>>
      %dma_start3A_754 = arith.constant 0 : i32
      %dma_start3A_755 = arith.constant 0 : i32
      %dma_start3A_756 = tpu.memref_slice %arg6[%add3A_739, %dma_start3A_754, %dma_start3A_755] : memref<4096x200x64xf32, #tpu.memory_space<hbm>> -> memref<1x200x64xf32, #tpu.memory_space<hbm>>
      %dma_start3A_757 = tpu.memref_squeeze %dma_start3A_756 : memref<1x200x64xf32, #tpu.memory_space<hbm>> -> memref<200x64xf32, #tpu.memory_space<hbm>>
      %dma_start3A_758 = arith.constant 0 : i32
      %dma_start3A_759 = arith.constant 0 : i32
      %dma_start3A_760 = tpu.memref_slice %arg10[%dma_start3A_740, %dma_start3A_741, %dma_start3A_758, %dma_start3A_759] : memref<2x2x200x64xf32, #tpu.memory_space<vmem>> -> memref<1x1x200x64xf32, #tpu.memory_space<vmem>>
      %dma_start3A_761 = tpu.memref_squeeze %dma_start3A_760 : memref<1x1x200x64xf32, #tpu.memory_space<vmem>> -> memref<200x64xf32, #tpu.memory_space<vmem>>
      tpu.enqueue_dma source(%dma_start3A_761 : memref<200x64xf32, #tpu.memory_space<vmem>>) target(%dma_start3A_757 : memref<200x64xf32, #tpu.memory_space<hbm>>) target_semaphore(%dma_start3A_753 : memref<!tpu.dma_semaphore, #tpu.memory_space<semaphore_mem>>)
      %dma_wait3A_762 = arith.constant 1 : i32
      %dma_wait3A_763 = arith.constant 1 : i32
      %dma_wait3A_764 = arith.constant 1 : i32
      %dma_wait3A_765 = arith.constant 1 : i32
      %dma_wait3A_766 = arith.constant 0 : i32
      %dma_wait3A_767 = arith.constant 0 : i32
      %dma_wait3A_768 = tpu.memref_slice %arg10[%dma_wait3A_762, %dma_wait3A_763, %dma_wait3A_766, %dma_wait3A_767] : memref<2x2x200x64xf32, #tpu.memory_space<vmem>> -> memref<1x1x128x64xf32, #tpu.memory_space<vmem>>
      %dma_wait3A_769 = tpu.memref_squeeze %dma_wait3A_768 : memref<1x1x128x64xf32, #tpu.memory_space<vmem>> -> memref<128x64xf32, #tpu.memory_space<vmem>>
      %dma_wait3A_770 = arith.constant 0 : i32
      %dma_wait3A_771 = tpu.memref_slice %arg8[%dma_wait3A_770] : memref<25600xi32, #tpu.memory_space<vmem>> -> memref<128xi32, #tpu.memory_space<vmem>>
      %dma_wait3A_772 = arith.constant 0 : i32
      %dma_wait3A_773 = arith.constant 0 : i32
      %dma_wait3A_774 = tpu.memref_slice %arg9[%dma_wait3A_772, %dma_wait3A_773] : memref<200x64xf32, #tpu.memory_space<vmem_shared>> -> memref<200x64xf32, #tpu.memory_space<vmem_shared>>
      %dma_wait3A_775 = tpu.memref_slice %arg12[%dma_wait3A_764, %dma_wait3A_765] : memref<2x2x!tpu.dma_semaphore, #tpu.memory_space<semaphore_mem>> -> memref<1x1x!tpu.dma_semaphore, #tpu.memory_space<semaphore_mem>>
      %dma_wait3A_776 = tpu.memref_squeeze %dma_wait3A_775 : memref<1x1x!tpu.dma_semaphore, #tpu.memory_space<semaphore_mem>> -> memref<!tpu.dma_semaphore, #tpu.memory_space<semaphore_mem>>
      tpu.wait_indirect_dma semaphore(%dma_wait3A_776 : memref<!tpu.dma_semaphore, #tpu.memory_space<semaphore_mem>>) src(%dma_wait3A_774 : memref<200x64xf32, #tpu.memory_space<vmem_shared>>) dst(%dma_wait3A_769 : memref<128x64xf32, #tpu.memory_space<vmem>>)
      %dma_wait3A_777 = arith.constant 1 : i32
      %dma_wait3A_778 = arith.constant 1 : i32
      %dma_wait3A_779 = arith.constant 1 : i32
      %dma_wait3A_780 = arith.constant 1 : i32
      %dma_wait3A_781 = arith.constant 128 : i32
      %dma_wait3A_782 = arith.constant 0 : i32
      %dma_wait3A_783 = tpu.memref_slice %arg10[%dma_wait3A_777, %dma_wait3A_778, %dma_wait3A_781, %dma_wait3A_782] : memref<2x2x200x64xf32, #tpu.memory_space<vmem>> -> memref<1x1x72x64xf32, #tpu.memory_space<vmem>>
      %dma_wait3A_784 = tpu.memref_squeeze %dma_wait3A_783 : memref<1x1x72x64xf32, #tpu.memory_space<vmem>> -> memref<72x64xf32, #tpu.memory_space<vmem>>
      %dma_wait3A_785 = arith.constant 128 : i32
      %dma_wait3A_786 = tpu.memref_slice %arg8[%dma_wait3A_785] : memref<25600xi32, #tpu.memory_space<vmem>> -> memref<72xi32, #tpu.memory_space<vmem>>
      %dma_wait3A_787 = arith.constant 0 : i32
      %dma_wait3A_788 = arith.constant 0 : i32
      %dma_wait3A_789 = tpu.memref_slice %arg9[%dma_wait3A_787, %dma_wait3A_788] : memref<200x64xf32, #tpu.memory_space<vmem_shared>> -> memref<200x64xf32, #tpu.memory_space<vmem_shared>>
      %dma_wait3A_790 = tpu.memref_slice %arg12[%dma_wait3A_779, %dma_wait3A_780] : memref<2x2x!tpu.dma_semaphore, #tpu.memory_space<semaphore_mem>> -> memref<1x1x!tpu.dma_semaphore, #tpu.memory_space<semaphore_mem>>
      %dma_wait3A_791 = tpu.memref_squeeze %dma_wait3A_790 : memref<1x1x!tpu.dma_semaphore, #tpu.memory_space<semaphore_mem>> -> memref<!tpu.dma_semaphore, #tpu.memory_space<semaphore_mem>>
      tpu.wait_indirect_dma semaphore(%dma_wait3A_791 : memref<!tpu.dma_semaphore, #tpu.memory_space<semaphore_mem>>) src(%dma_wait3A_789 : memref<200x64xf32, #tpu.memory_space<vmem_shared>>) dst(%dma_wait3A_784 : memref<72x64xf32, #tpu.memory_space<vmem>>)
      %mul3A_792 = arith.constant 4 : i32
      %mul3A_793 = arith.muli %scan3A_114, %mul3A_792 : i32
      %add3A_794 = arith.constant 2 : i32
      %add3A_795 = arith.addi %mul3A_793, %add3A_794 : i32
      %add3A_796 = arith.constant 1 : i32
      %add3A_797 = arith.addi %add3A_795, %add3A_796 : i32
      %add3A_798 = arith.addi %mul3A_2, %add3A_797 : i32
      %dma_start3A_799 = arith.constant 1 : i32
      %dma_start3A_800 = arith.constant 1 : i32
      %dma_start3A_801 = arith.constant 1 : i32
      %dma_start3A_802 = arith.constant 1 : i32
      %dma_start3A_803 = arith.constant 0 : i32
      %dma_start3A_804 = arith.constant 0 : i32
      %dma_start3A_805 = tpu.memref_slice %arg10[%dma_start3A_799, %dma_start3A_800, %dma_start3A_803, %dma_start3A_804] : memref<2x2x200x64xf32, #tpu.memory_space<vmem>> -> memref<1x1x200x64xf32, #tpu.memory_space<vmem>>
      %dma_start3A_806 = tpu.memref_squeeze %dma_start3A_805 : memref<1x1x200x64xf32, #tpu.memory_space<vmem>> -> memref<200x64xf32, #tpu.memory_space<vmem>>
      %dma_start3A_807 = arith.constant 0 : i32
      %dma_start3A_808 = arith.constant 0 : i32
      %dma_start3A_809 = tpu.memref_slice %arg6[%add3A_798, %dma_start3A_807, %dma_start3A_808] : memref<4096x200x64xf32, #tpu.memory_space<hbm>> -> memref<1x200x64xf32, #tpu.memory_space<hbm>>
      %dma_start3A_810 = tpu.memref_squeeze %dma_start3A_809 : memref<1x200x64xf32, #tpu.memory_space<hbm>> -> memref<200x64xf32, #tpu.memory_space<hbm>>
      %dma_start3A_811 = tpu.memref_slice %arg13[%dma_start3A_801, %dma_start3A_802] : memref<2x2x!tpu.dma_semaphore, #tpu.memory_space<semaphore_mem>> -> memref<1x1x!tpu.dma_semaphore, #tpu.memory_space<semaphore_mem>>
      %dma_start3A_812 = tpu.memref_squeeze %dma_start3A_811 : memref<1x1x!tpu.dma_semaphore, #tpu.memory_space<semaphore_mem>> -> memref<!tpu.dma_semaphore, #tpu.memory_space<semaphore_mem>>
      %dma_start3A_813 = arith.constant 0 : i32
      %dma_start3A_814 = arith.constant 0 : i32
      %dma_start3A_815 = tpu.memref_slice %arg6[%add3A_798, %dma_start3A_813, %dma_start3A_814] : memref<4096x200x64xf32, #tpu.memory_space<hbm>> -> memref<1x200x64xf32, #tpu.memory_space<hbm>>
      %dma_start3A_816 = tpu.memref_squeeze %dma_start3A_815 : memref<1x200x64xf32, #tpu.memory_space<hbm>> -> memref<200x64xf32, #tpu.memory_space<hbm>>
      %dma_start3A_817 = arith.constant 0 : i32
      %dma_start3A_818 = arith.constant 0 : i32
      %dma_start3A_819 = tpu.memref_slice %arg10[%dma_start3A_799, %dma_start3A_800, %dma_start3A_817, %dma_start3A_818] : memref<2x2x200x64xf32, #tpu.memory_space<vmem>> -> memref<1x1x200x64xf32, #tpu.memory_space<vmem>>
      %dma_start3A_820 = tpu.memref_squeeze %dma_start3A_819 : memref<1x1x200x64xf32, #tpu.memory_space<vmem>> -> memref<200x64xf32, #tpu.memory_space<vmem>>
      tpu.enqueue_dma source(%dma_start3A_820 : memref<200x64xf32, #tpu.memory_space<vmem>>) target(%dma_start3A_816 : memref<200x64xf32, #tpu.memory_space<hbm>>) target_semaphore(%dma_start3A_812 : memref<!tpu.dma_semaphore, #tpu.memory_space<semaphore_mem>>)
    }
    %scan3A_70 = arith.constant 32 : i32
    %dma_wait3A = arith.constant 1 : i32
    %dma_wait3A_71 = arith.constant 0 : i32
    %dma_wait3A_72 = arith.constant 1 : i32
    %dma_wait3A_73 = arith.constant 0 : i32
    %dma_wait3A_74 = arith.constant 0 : i32
    %dma_wait3A_75 = arith.constant 0 : i32
    %dma_wait3A_76 = tpu.memref_slice %arg10[%dma_wait3A, %dma_wait3A_71, %dma_wait3A_74, %dma_wait3A_75] : memref<2x2x200x64xf32, #tpu.memory_space<vmem>> -> memref<1x1x200x64xf32, #tpu.memory_space<vmem>>
    %dma_wait3A_77 = tpu.memref_squeeze %dma_wait3A_76 : memref<1x1x200x64xf32, #tpu.memory_space<vmem>> -> memref<200x64xf32, #tpu.memory_space<vmem>>
    %dma_wait3A_78 = arith.constant 0 : i32
    %dma_wait3A_79 = arith.constant 0 : i32
    %dma_wait3A_80 = tpu.memref_slice %arg6[%mul3A_2, %dma_wait3A_78, %dma_wait3A_79] : memref<4096x200x64xf32, #tpu.memory_space<hbm>> -> memref<1x200x64xf32, #tpu.memory_space<hbm>>
    %dma_wait3A_81 = tpu.memref_squeeze %dma_wait3A_80 : memref<1x200x64xf32, #tpu.memory_space<hbm>> -> memref<200x64xf32, #tpu.memory_space<hbm>>
    %dma_wait3A_82 = tpu.memref_slice %arg13[%dma_wait3A_72, %dma_wait3A_73] : memref<2x2x!tpu.dma_semaphore, #tpu.memory_space<semaphore_mem>> -> memref<1x1x!tpu.dma_semaphore, #tpu.memory_space<semaphore_mem>>
    %dma_wait3A_83 = tpu.memref_squeeze %dma_wait3A_82 : memref<1x1x!tpu.dma_semaphore, #tpu.memory_space<semaphore_mem>> -> memref<!tpu.dma_semaphore, #tpu.memory_space<semaphore_mem>>
    %dma_wait3A_84 = arith.constant 0 : i32
    %dma_wait3A_85 = arith.constant 0 : i32
    %dma_wait3A_86 = tpu.memref_slice %arg6[%mul3A_2, %dma_wait3A_84, %dma_wait3A_85] : memref<4096x200x64xf32, #tpu.memory_space<hbm>> -> memref<1x200x64xf32, #tpu.memory_space<hbm>>
    %dma_wait3A_87 = tpu.memref_squeeze %dma_wait3A_86 : memref<1x200x64xf32, #tpu.memory_space<hbm>> -> memref<200x64xf32, #tpu.memory_space<hbm>>
    %dma_wait3A_88 = arith.constant 0 : i32
    %dma_wait3A_89 = arith.constant 0 : i32
    %dma_wait3A_90 = tpu.memref_slice %arg10[%dma_wait3A, %dma_wait3A_71, %dma_wait3A_88, %dma_wait3A_89] : memref<2x2x200x64xf32, #tpu.memory_space<vmem>> -> memref<1x1x200x64xf32, #tpu.memory_space<vmem>>
    %dma_wait3A_91 = tpu.memref_squeeze %dma_wait3A_90 : memref<1x1x200x64xf32, #tpu.memory_space<vmem>> -> memref<200x64xf32, #tpu.memory_space<vmem>>
    tpu.wait_dma2 semaphore(%dma_wait3A_83 : memref<!tpu.dma_semaphore, #tpu.memory_space<semaphore_mem>>) src(%dma_wait3A_91 : memref<200x64xf32, #tpu.memory_space<vmem>>) dst(%dma_wait3A_87 : memref<200x64xf32, #tpu.memory_space<hbm>>)
    %dma_wait3A_92 = arith.constant 1 : i32
    %dma_wait3A_93 = arith.constant 1 : i32
    %dma_wait3A_94 = arith.constant 1 : i32
    %dma_wait3A_95 = arith.constant 1 : i32
    %dma_wait3A_96 = arith.constant 0 : i32
    %dma_wait3A_97 = arith.constant 0 : i32
    %dma_wait3A_98 = tpu.memref_slice %arg10[%dma_wait3A_92, %dma_wait3A_93, %dma_wait3A_96, %dma_wait3A_97] : memref<2x2x200x64xf32, #tpu.memory_space<vmem>> -> memref<1x1x200x64xf32, #tpu.memory_space<vmem>>
    %dma_wait3A_99 = tpu.memref_squeeze %dma_wait3A_98 : memref<1x1x200x64xf32, #tpu.memory_space<vmem>> -> memref<200x64xf32, #tpu.memory_space<vmem>>
    %dma_wait3A_100 = arith.constant 0 : i32
    %dma_wait3A_101 = arith.constant 0 : i32
    %dma_wait3A_102 = tpu.memref_slice %arg6[%mul3A_2, %dma_wait3A_100, %dma_wait3A_101] : memref<4096x200x64xf32, #tpu.memory_space<hbm>> -> memref<1x200x64xf32, #tpu.memory_space<hbm>>
    %dma_wait3A_103 = tpu.memref_squeeze %dma_wait3A_102 : memref<1x200x64xf32, #tpu.memory_space<hbm>> -> memref<200x64xf32, #tpu.memory_space<hbm>>
    %dma_wait3A_104 = tpu.memref_slice %arg13[%dma_wait3A_94, %dma_wait3A_95] : memref<2x2x!tpu.dma_semaphore, #tpu.memory_space<semaphore_mem>> -> memref<1x1x!tpu.dma_semaphore, #tpu.memory_space<semaphore_mem>>
    %dma_wait3A_105 = tpu.memref_squeeze %dma_wait3A_104 : memref<1x1x!tpu.dma_semaphore, #tpu.memory_space<semaphore_mem>> -> memref<!tpu.dma_semaphore, #tpu.memory_space<semaphore_mem>>
    %dma_wait3A_106 = arith.constant 0 : i32
    %dma_wait3A_107 = arith.constant 0 : i32
    %dma_wait3A_108 = tpu.memref_slice %arg6[%mul3A_2, %dma_wait3A_106, %dma_wait3A_107] : memref<4096x200x64xf32, #tpu.memory_space<hbm>> -> memref<1x200x64xf32, #tpu.memory_space<hbm>>
    %dma_wait3A_109 = tpu.memref_squeeze %dma_wait3A_108 : memref<1x200x64xf32, #tpu.memory_space<hbm>> -> memref<200x64xf32, #tpu.memory_space<hbm>>
    %dma_wait3A_110 = arith.constant 0 : i32
    %dma_wait3A_111 = arith.constant 0 : i32
    %dma_wait3A_112 = tpu.memref_slice %arg10[%dma_wait3A_92, %dma_wait3A_93, %dma_wait3A_110, %dma_wait3A_111] : memref<2x2x200x64xf32, #tpu.memory_space<vmem>> -> memref<1x1x200x64xf32, #tpu.memory_space<vmem>>
    %dma_wait3A_113 = tpu.memref_squeeze %dma_wait3A_112 : memref<1x1x200x64xf32, #tpu.memory_space<vmem>> -> memref<200x64xf32, #tpu.memory_space<vmem>>
    tpu.wait_dma2 semaphore(%dma_wait3A_105 : memref<!tpu.dma_semaphore, #tpu.memory_space<semaphore_mem>>) src(%dma_wait3A_113 : memref<200x64xf32, #tpu.memory_space<vmem>>) dst(%dma_wait3A_109 : memref<200x64xf32, #tpu.memory_space<hbm>>)
    return
  }
}

</mosaic_0001>

<sc_bundles>
// kernel: _emb.3.cloned.1.call-start
scs
__scs_entry_jumppad:
0x0: {  	(pc) =	sbr.rel $0x88, $3  }
0x1: {  	(tag) =	ssettag $0x0;
	lr =	simm.s32 $0x1  }
0x2: {  	[smem:$0x3F9D] =	sst lr;
	_ =	strace $0xD0000000  }
0x3: {  	_ = 	snop  }
0x4: {  	_ = 	snop  }
0x5: {  	_ = 	snop  }
0x6: {  	_ = 	snop  }
0x7: {  	_ = 	snop  }
__scs_overlays_trampoline_lowered:
0x8: {  	[smem:$0x3FAC] =	sst s0  }
0x9: {  	[smem:$0x3FAD] =	sst s1  }
0xa: {  	[smem:$0x3FAE] =	sst s2  }
0xb: {  	[smem:$0x3FAF] =	sst s3  }
0xc: {  	[smem:$0x3FB0] =	sst s4  }
0xd: {  	[smem:$0x3FB1] =	sst s5  }
0xe: {  	[smem:$0x3FB2] =	sst s6  }
0xf: {  	[smem:$0x3FB3] =	sst s7  }
0x10: {  	[smem:$0x3FB4] =	sst s8  }
0x11: {  	[smem:$0x3FB5] =	sst s9;
	s0 =	simm.s32 @!p0 $0x0  }
0x12: {  	s1 =	sld [smem:$0x3F9B];
	s0 =	simm.s32 @p0 $0x1  }
0x13: {  	[smem:$0x3FB6] =	sst s0;
	s0 =	simm.s32 @!p1 $0x0  }
0x14: {  	s2 =	sld [smem:$0x3F9A];
	s0 =	simm.s32 @p1 $0x1  }
0x15: {  	[smem:$0x3FB7] =	sst s0;
	s0 =	simm.s32 @!p2 $0x0  }
0x16: {  	s3 =	sld [smem:$0x3FDB];
	s0 =	simm.s32 @p2 $0x1  }
0x17: {  	s4 =	simm.s32 $0x1BF5;
	[smem:$0x3FB9] =	sst s0  }
0x18: {  	s0 =	sld [smem:$0x3F9C];
	_ =	swait.ge [sflag:s4], $0x0  }
0x19: {  	s7 =	sld [smem:$0x3F9D]  }
0x1a: {  	s8 =	sadd.s32 $0xFFFFE003, lr  }
0x1b: {  	s9 =	sadd.s32 $0xFFFFFEF7, lr;
	s5 =	simm.s32 $0xFFFFFFFF;
	p2 =	slt.u32 s8, $0xFFFFF086  }
0x1c: {  	p1 =	slt.u32 s9, $0xF7A;
	s5 =	simm.s32 @!p2 $0x0  }
0x1d: {  	s5 =	simm.s32 @p1 $0x1;
	p0 =	seq.s32 s7, s2  }
0x1e: {  	s7 =	smul.u32 @!p0 $0xF7A, s2;
	p2 =	seq.s32 @!p0 s5, $0x0  }
0x1f: {  	s9 =	smul.u32 $0xF7A, s1;
	s8 =	simm.s32 @!p0 $0x1BF5;
	p2 =	por !p2, p0  }
0x20: {  	[sflag:s8] =	ssyncset.s32 @!p0 $0xFFFFF086;
	s6 =	sadd.s32 @!p0 s3, s7;
	s7 =	simm.s32 @!p0 $0x108  }
0x21: {  	s3 =	sadd.s32 s3, s9;
	s6 =	sadd.s32 @!p0 $0x88, s6;
	s7 =	simm.s32 @p2 $0x1082  }
0x22: {  	[simem:s7], [sflag:s8] =	dma.local @!p0 [hbm:s6], $0xF7A  }
0x23: {  	s9 =	sor.u32 $0xD0000000, s2;
	s6 =	simm.s32 $0x108;
	_ =	swait.ge @!p0 [sflag:s8], $0x0  }
0x24: {  	s3 =	sadd.s32 $0x88, s3;
	s6 =	simm.s32 @!p1 $0x1082;
	[sflag:s4] =	ssyncset.s32 $0xFFFFF086  }
0x25: {  	[simem:s6], [sflag:s4] =	dma.local [hbm:s3], $0xF7A  }
0x26: {  	[smem:$0x3F9D] =	sst s1;
	(tag) =	ssettag s2;
	_ =	strace s9  }
0x27: {  	s1 =	sld [smem:$0x3FAD]  }
0x28: {  	s2 =	sld [smem:$0x3FAE]  }
0x29: {  	s4 =	sld [smem:$0x3FB0]  }
0x2a: {  	p0 =	seq.s32 s5, $0x0;
	s5 =	sld [smem:$0x3FB1]  }
0x2b: {  	s6 =	sld [smem:$0x3FB2]  }
0x2c: {  	s7 =	sld [smem:$0x3FB3]  }
0x2d: {  	s3 =	simm.s32 $0x108;
	s8 =	sld [smem:$0x3FB4]  }
0x2e: {  	s3 =	simm.s32 @!p0 $0x1082;
	s9 =	sld [smem:$0x3FB5]  }
0x2f: {  	lr =	sadd.s32 s0, s3;
	s0 =	sld [smem:$0x3FAC]  }
0x30: {  	s3 =	sld [smem:$0x3FAF]  }
0x31: {  	[smem:$0x3FB8] =	sst s10  }
0x32: {  	s10 =	sld [smem:$0x3FB6];
	_ =	sdelay $0x3  }
0x33: {  	p0 =	seq.s32 s10, $0x1;
	s10 =	sld [smem:$0x3FB8];
	_ =	sdelay $0x3  }
0x34: {  	[smem:$0x3FB8] =	sst s10  }
0x35: {  	s10 =	sld [smem:$0x3FB7];
	_ =	sdelay $0x3  }
0x36: {  	p1 =	seq.s32 s10, $0x1;
	s10 =	sld [smem:$0x3FB8];
	_ =	sdelay $0x3  }
0x37: {  	[smem:$0x3FB8] =	sst s10  }
0x38: {  	s10 =	sld [smem:$0x3FB9]  }
0x39: {  	_ = 	snop;
	(pc) =	sbr.ind lr, $3  }
0x3a: {  	_ = 	snop  }
0x3b: {  	_ = 	snop  }
0x3c: {  	p2 =	seq.s32 s10, $0x1;
	s10 =	sld [smem:$0x3FB8]  }
0x3d: {  	_ =	shalt  }
0x3e: {  	_ =	shalt  }
0x3f: {  	_ =	shalt  }
0x40: {  	_ =	shalt  }
0x41: {  	_ =	shalt  }
0x42: {  	_ =	shalt  }
0x43: {  	_ =	shalt  }
0x44: {  	_ =	shalt  }
0x45: {  	_ =	shalt  }
0x46: {  	_ =	shalt  }
0x47: {  	_ =	shalt  }
0x48: {  	_ =	shalt  }
0x49: {  	_ =	shalt  }
0x4a: {  	_ =	shalt  }
0x4b: {  	_ =	shalt  }
0x4c: {  	_ =	shalt  }
0x4d: {  	_ =	shalt  }
0x4e: {  	_ =	shalt  }
0x4f: {  	_ =	shalt  }
0x50: {  	_ =	shalt  }
0x51: {  	_ =	shalt  }
0x52: {  	_ =	shalt  }
0x53: {  	_ =	shalt  }
0x54: {  	_ =	shalt  }
0x55: {  	_ =	shalt  }
0x56: {  	_ =	shalt  }
0x57: {  	_ =	shalt  }
0x58: {  	_ =	shalt  }
0x59: {  	_ =	shalt  }
0x5a: {  	_ =	shalt  }
0x5b: {  	_ =	shalt  }
0x5c: {  	_ =	shalt  }
0x5d: {  	_ =	shalt  }
0x5e: {  	_ =	shalt  }
0x5f: {  	_ =	shalt  }
0x60: {  	_ =	shalt  }
0x61: {  	_ =	shalt  }
0x62: {  	_ =	shalt  }
0x63: {  	_ =	shalt  }
0x64: {  	_ =	shalt  }
0x65: {  	_ =	shalt  }
0x66: {  	_ =	shalt  }
0x67: {  	_ =	shalt  }
0x68: {  	_ =	shalt  }
0x69: {  	_ =	shalt  }
0x6a: {  	_ =	shalt  }
0x6b: {  	_ =	shalt  }
0x6c: {  	_ =	shalt  }
0x6d: {  	_ =	shalt  }
0x6e: {  	_ =	shalt  }
0x6f: {  	_ =	shalt  }
0x70: {  	_ =	shalt  }
0x71: {  	_ =	shalt  }
0x72: {  	_ =	shalt  }
0x73: {  	_ =	shalt  }
0x74: {  	_ =	shalt  }
0x75: {  	_ =	shalt  }
0x76: {  	_ =	shalt  }
0x77: {  	_ =	shalt  }
0x78: {  	_ =	shalt  }
0x79: {  	_ =	shalt  }
0x7a: {  	_ =	shalt  }
0x7b: {  	_ =	shalt  }
0x7c: {  	_ =	shalt  }
0x7d: {  	_ =	shalt  }
0x7e: {  	_ =	shalt  }
0x7f: {  	_ =	shalt  }
0x80: {  	_ =	shalt  }
0x81: {  	_ =	shalt  }
0x82: {  	_ =	shalt  }
0x83: {  	_ =	shalt  }
0x84: {  	_ =	shalt  }
0x85: {  	_ =	shalt  }
0x86: {  	_ =	shalt  }
0x87: {  	_ =	shalt  }
.Lfunc_end0:
.L_simem_size_0:
called_computation.1_lowered:
.L_overlay_start_0:
0x88: {  	s2 =	sld [smem:$0x3FD9]  }
0x89: {  	s3 =	sld [smem:$0x3FFE];
	_ =	sdelay $0x1  }
0x8a: {  	s1 =	srdreg.scid  }
0x8b: {  	s0 =	sand.u32 $0x1, s1  }
0x8c: {  	s17 =	sshll.u32 s0, $0xA;
	s2 =	sadd.s32 s3, s2  }
0x8d: {  	s2 =	sadd.s32 s2, s17  }
0x8e: {  	[smem:$0x3FC4] =	sst s2  }
0x8f: {  	_ = 	snop  }
0x90: {  	s2 =	sld [smem:$0x3FC9]  }
0x91: {  	s18 =	sld [smem:$0x3FC8]  }
0x92: {  	s4 =	sld [smem:$0x3FD0];
	(tm) =	ssettm $0x1  }
0x93: {  	s5 =	sld [smem:$0x3FFB];
	_ =	sdelay $0x3  }
0x94: {  	_ =	strace s5  }
0x95: {  	s5 =	sld [smem:$0x3FFC];
	_ =	sdelay $0x3  }
0x96: {  	_ =	strace s5  }
0x97: {  	s5 =	sld [smem:$0x3FFD];
	_ =	sdelay $0x3  }
0x98: {  	_ =	strace s5  }
0x99: {  	_ =	strace $0x8FFFFFFF  }
0x9a: {  	s19 =	sld [smem:$0x3FDB];
	_ =	sdelay $0x1  }
0x9b: {  	s6 =	simm.s32 $_scs_section_size  }
0x9c: {  	s7 =	simm.s32 $_size__tile_overlayer_lowered;
	s8 =	simm.s32 $_tile_overlayer_lowered  }
0x9d: {  	s22 =	simm.s32 $0x1BFF;
	s21 =	sshll.u32 s8, $0x1;
	s5 =	sadd.s32 s6, s19  }
0x9e: {  	s9 =	simm.s32 $0x0;
	s20 =	sshll.u32 s7, $0x1;
	s7 =	sadd.s32 s21, s5  }
0x9f: {  	[timem:s9], [sflag:s22] =	dma.local [hbm:s7], s20  }
0xa0: {  	_ =	swait.ge [sflag:s22], s20  }
0xa1: {  	s6 =	ssub.s32 $0x0, s20;
	[sflag:s22] =	ssyncset.done $0x0  }
0xa2: {  	[sflag:s22] =	ssyncadd.s32 s6;
	_ =	sdelay $0x1  }
0xa3: {  	s23 =	simm.s32 $0x1B8B  }
0xa4: {  	_ =	swait.ge [sflag:s23], $0x1  }
0xa5: {  	[sflag:s23] =	ssyncset.done $0x0  }
0xa6: {  	s25 =	simm.s32 $0x1B8E;
	s24 =	sld [smem:$0x3FFE];
	[sflag:s23] =	ssyncadd.s32 $0xFFFFFFFF  }
0xa7: {  	s26 =	simm.s32 $execute0_lowered;
	[smem:$0x3FD2] =	sst s25  }
0xa8: {  	s7 =	sshll.u32 s26, $0x1;
	_ =	strace $0x80000046;
	[dreg:$0x1] =	wrdreg $0xFFFFFFFF  }
0xa9: {  	s28 =	simm.s32 $_size_execute0_lowered;
	s5 =	sadd.s32 s5, s7;
	[dreg:$0x0] =	wrdreg $0x0  }
0xaa: {  	s7 =	sshll.u32 s28, $0x1;
	[dreg:$0x2] =	wrdreg s5  }
0xab: {  	[dreg:$0x3] =	wrdreg s7  }
0xac: {  	[dreg:$0x4] =	wrdreg $0xC0  }
0xad: {  	_ =	task [dreg:s9], $0x5FFFF  }
0xae: {  	[dreg:$0x1] =	wrdreg $0xFFFFFFFF  }
0xaf: {  	[dreg:$0x0] =	wrdreg $0x60  }
0xb0: {  	[dreg:$0x2] =	wrdreg s2  }
0xb1: {  	[dreg:$0x3] =	wrdreg s18  }
0xb2: {  	[dreg:$0x4] =	wrdreg s24  }
0xb3: {  	[dreg:$0x5] =	wrdreg s4  }
0xb4: {  	[dreg:$0x6] =	wrdreg $0xC8000  }
0xb5: {  	[dreg:$0x7] =	wrdreg $0x9  }
0xb6: {  	_ =	task.clear_ibuf [dreg:s9], $0x8FFFF;
	_ =	strace $0x90000046  }
0xb7: {  	s29 =	simm.s32 $0x9;
	_ =	strace $0x80000048  }
0xb8: {  	_ =	swait.ge [sflag:s29], $0x1  }
0xb9: {  	[sflag:s29] =	ssyncadd.s32 $0xFFFFFFFF  }
0xba: {  	_ =	strace $0x90000048  }
0xbb: {  	_ =	sfence  }
0xbc: {  	s30 =	sld [smem:$0x0];
	_ =	sdelay $0x2  }
0xbd: {  	s31 =	sshll.u32 s1, $0xD;
	s1 =	sshrl.u32 s1, $0x2  }
0xbe: {  	s3 =	sand.u32 $0x4000, s31;
	s1 =	sadd.s32 s1, s30  }
0xbf: {  	s0 =	sor.u32 s3, s0;
	s1 =	sshll.u32 s1, $0x11  }
0xc0: {  	s0 =	sor.u32 s1, s0  }
0xc1: {  	s0 =	sadd.s32 $0x8F2B, s0  }
0xc2: {  	[sflag:s0] =	ssyncadd.remote.s32 $0x1  }
0xc3: {  	_ =	sfence.sel $0xFFFF  }
0xc4: {  	[dreg:$0x0] =	wrdreg $0xFFFFFFFF;
	(pc) =	sbr.abs _section_cstart, $3  }
0xc5: {  	[dreg:$0x1] =	wrdreg $0xFFFFFFFF  }
0xc6: {  	_ =	task.clear_ibuf [dreg:s9], $0x2FFFF;
	_ =	strace $0x9FFFFFFF  }
0xc7: {  	(tm) =	ssettm $0x7FFFFFFF  }
tec
execute0_lowered:
.L_overlay_start_1:
0x0: {  	(tag) =	ssettag $0x1  }
0x1: {  	s0 =	rddreg [dreg:$0x0]  }
0x2: {  	s4 =	rddreg [dreg:$0x1]  }
0x3: {  	s5 =	rddreg [dreg:$0x2]  }
0x4: {  	s6 =	rddreg [dreg:$0x3]  }
0x5: {  	s1 =	rddreg [dreg:$0x4];
	s3 =	srdreg.scid  }
0x6: {  	s7 =	stileid.u32;
	s2 =	simm.s32 $0x0;
	s13 =	simm.s32 $0xCB20  }
0x7: {  	s14 =	simm.s32 $0x48;
	s17 =	simm.s32 $0xFD20;
	s19 =	simm.s32 $0x11D20  }
0x8: {  	s20 =	simm.s32 $0x1;
	s21 =	simm.s32 $0x2;
	s28 =	simm.s32 $0x6  }
0x9: {  	s29 =	simm.s32 $0x3;
	s30 =	simm.s32 $0x4;
	s31 =	simm.s32 $0x9  }
0xa: {  	s8 =	sand.u32 $0x1, s3;
	s22 =	sshll.u32 s7, $0x1;
	[smem:$0x7FF] =	sst s2  }
0xb: {  	s12 =	smul.u32 $0x64000, s7;
	p0 =	sne.s32 s7, $0x0;
	s3 =	sor.u32 s8, s22  }
0xc: {  	_ =	strace $0x80000047;
	s9 =	ssub.s32 $0x2, s8;
	s8 =	smul.u32 $0x32000, s8  }
0xd: {  	s22 =	simm.s32 $0x12F20;
	s10 =	smul.u32 $0xC80, s3;
	s3 =	sadd.s32 $0xF42E00, s5  }
0xe: {  	s11 =	sshrl.u32 s9, $0x1;
	s5 =	sadd.s32 $0xA00, s5;
	s25 =	sadd.s32 s12, s6  }
0xf: {  	s12 =	simm.s32 $0x80;
	s6 =	simm.s32 $0x0;
	[dreg:$0x6] =	wrdreg s5  }
0x10: {  	s23 =	ssub.s32 s9, s11;
	s9 =	simm.s32 $0xEB20;
	s0 =	sadd.s32 s0, s10  }
0x11: {  	s24 =	sadd.s32 s4, s10;
	s26 =	smax.u32 s23, $0x1;
	[dreg:$0x7] =	wrdreg s0  }
0x12: {  	s23 =	simm.s32 $0x14F20;
	s10 =	simm.s32 $0x8;
	[dreg:$0x8] =	wrdreg s24  }
0x13: {  	[dreg:$0x9] =	wrdreg s26;
	s0 =	sadd.s32 s8, s25;
	s24 =	simm.s32 $0x16120  }
0x14: {  	s25 =	simm.s32 $0x18120;
	[dreg:$0xa] =	wrdreg s0;
	s0 =	sshrl.u32 @!p0 s1, $0x3  }
0x15: {  	s26 =	simm.s32 $0x5;
	[dreg:$0xb] =	wrdreg s0;
	s0 =	simm.s32 $0x7  }
.LBB2_1:
0x16: {  	[dreg:$0xc] =	wrdreg s6  }
0x17: {  	s4 =	rddreg [dreg:$0x7];
	s5 =	simm.s32 $0xD  }
0x18: {  	[tilespmem:s2], [sflag:$0xD] =	stream.linear.gather [hbm4b:s4+s2], $0x6400, $0x38;
	[tilespmem:$0x19320] =	vst v63  }
0x19: {  	_ =	swait.ge [sflag:s5], $0x6400  }
0x1a: {  	[sflag:s5] =	ssyncset.done $0x0  }
0x1b: {  	s18 =	simm.s32 $0x6400;
	s16 =	rddreg [dreg:$0x8];
	[sflag:s5] =	ssyncadd.s32 $0xFFFF9C00  }
0x1c: {  	[tilespmem:s18], [sflag:$0xD] =	stream.linear.gather [hbm4b:s16+s2], $0x6400, $0x38;
	[tilespmem:$0x19320] =	vst v63  }
0x1d: {  	_ =	swait.ge [sflag:s5], $0x6400  }
0x1e: {  	[sflag:s5] =	ssyncset.done $0x0;
	s4 =	rddreg [dreg:$0x6]  }
0x1f: {  	s6 =	rddreg [dreg:$0xb];
	[sflag:s5] =	ssyncadd.s32 $0xFFFF9C00;
	s5 =	simm.s32 @!p0 $0x1C0D  }
0x20: {  	[spmem:s6], [sflag:s5] =	dma.local @!p0 [hbm:s4], $0x640  }
0x21: {  	s5 =	simm.s32 @!p0 $0xD  }
0x22: {  	_ =	swait.ge @!p0 [sflag:s5], $0x640  }
0x23: {  	[sflag:s5] =	ssyncset.done @!p0 $0x0  }
0x24: {  	[sflag:s5] =	ssyncadd.s32 @!p0 $0xFFFFF9C0  }
0x25: {  	[bflag:$0x0] =	sbarrier.arrive $0xFFFF  }
0x26: {  	[tilespmem:s13], [sflag:$0x1] =	stream.indirect.gather [hbm4b:s3+s12], $0x40, s2, s12, $0xb8;
	[tilespmem:$0x19320] =	vst v63  }
0x27: {  	_ = 	snop  }
0x28: {  	[tilespmem:s9], [sflag:$0x1] =	stream.indirect.gather [hbm4b:s3+s14], $0x40, s12, s14, $0xb8;
	[tilespmem:$0x19320] =	vst v63  }
0x29: {  	s5 =	simm.s32 $0xC8  }
0x2a: {  	[tilespmem:s17], [sflag:$0x2] =	stream.indirect.gather [hbm4b:s3+s12], $0x40, s5, s12, $0xb8;
	[tilespmem:$0x19320] =	vst v63  }
0x2b: {  	s6 =	simm.s32 $0x148  }
0x2c: {  	[tilespmem:s19], [sflag:$0x2] =	stream.indirect.gather [hbm4b:s3+s14], $0x40, s6, s14, $0xb8;
	[tilespmem:$0x19320] =	vst v63  }
0x2d: {  	_ =	swait.ge [sflag:s20], $0x2000  }
0x2e: {  	[sflag:s20] =	ssyncset.done $0x0  }
0x2f: {  	[sflag:s20] =	ssyncadd.s32 $0xFFFFE000  }
0x30: {  	_ =	swait.ge [sflag:s20], $0x1200  }
0x31: {  	[sflag:s20] =	ssyncset.done $0x0  }
0x32: {  	s7 =	simm.s32 $0x6400;
	[sflag:s20] =	ssyncadd.s32 $0xFFFFEE00  }
0x33: {  	[tilespmem:s13], [sflag:$0x5] =	stream.indirect.gather.add.f32 [spmem:s1], $0x40, s7, s12, $0xb8;
	[tilespmem:$0x19320] =	vst v63  }
0x34: {  	s8 =	simm.s32 $0x6480  }
0x35: {  	[tilespmem:s9], [sflag:$0x5] =	stream.indirect.gather.add.f32 [spmem:s1], $0x40, s8, s14, $0xb8;
	[tilespmem:$0x19320] =	vst v63  }
0x36: {  	_ =	swait.ge [sflag:s21], $0x2000  }
0x37: {  	[sflag:s21] =	ssyncset.done $0x0  }
0x38: {  	[sflag:s21] =	ssyncadd.s32 $0xFFFFE000  }
0x39: {  	_ =	swait.ge [sflag:s21], $0x1200  }
0x3a: {  	[sflag:s21] =	ssyncset.done $0x0  }
0x3b: {  	s11 =	simm.s32 $0x64C8;
	p1 =	por $0x1, $0x1;
	[sflag:s21] =	ssyncadd.s32 $0xFFFFEE00  }
0x3c: {  	[tilespmem:s17], [sflag:$0x6] =	stream.indirect.gather.add.f32 [spmem:s1], $0x40, s11, s12, $0xb8;
	[tilespmem:$0x19320] =	vst v63  }
0x3d: {  	s15 =	simm.s32 $0x6548;
	s5 =	simm.s32 @!p1 $0xB  }
0x3e: {  	[tilespmem:s19], [sflag:$0x6] =	stream.indirect.gather.add.f32 [spmem:s1], $0x40, s15, s14, $0xb8;
	[tilespmem:$0x19320] =	vst v63  }
0x3f: {  	_ =	swait.ge @!p1 [sflag:s5], $0x3200  }
0x40: {  	[sflag:s5] =	ssyncset.done @!p1 $0x0  }
0x41: {  	s7 =	simm.s32 $0x190;
	[sflag:s5] =	ssyncadd.s32 @!p1 $0xFFFFCE00  }
0x42: {  	[tilespmem:s22], [sflag:$0x3] =	stream.indirect.gather [hbm4b:s3+s12], $0x40, s7, s12, $0xb8;
	[tilespmem:$0x19320] =	vst v63  }
0x43: {  	s16 =	simm.s32 $0x210;
	s7 =	simm.s32 @!p1 $0xC  }
0x44: {  	[tilespmem:s23], [sflag:$0x3] =	stream.indirect.gather [hbm4b:s3+s14], $0x40, s16, s14, $0xb8;
	[tilespmem:$0x19320] =	vst v63  }
0x45: {  	_ =	swait.ge @!p1 [sflag:s7], $0x3200  }
0x46: {  	[sflag:s7] =	ssyncset.done @!p1 $0x0  }
0x47: {  	s18 =	simm.s32 $0x258;
	[sflag:s7] =	ssyncadd.s32 @!p1 $0xFFFFCE00  }
0x48: {  	[tilespmem:s24], [sflag:$0x4] =	stream.indirect.gather [hbm4b:s3+s12], $0x40, s18, s12, $0xb8;
	[tilespmem:$0x19320] =	vst v63  }
0x49: {  	s4 =	simm.s32 $0x2D8  }
0x4a: {  	[tilespmem:s25], [sflag:$0x4] =	stream.indirect.gather [hbm4b:s3+s14], $0x40, s4, s14, $0xb8;
	[tilespmem:$0x19320] =	vst v63  }
0x4b: {  	_ =	swait.ge [sflag:s26], $0x2000  }
0x4c: {  	[sflag:s26] =	ssyncset.done $0x0  }
0x4d: {  	[sflag:s26] =	ssyncadd.s32 $0xFFFFE000  }
0x4e: {  	_ =	swait.ge [sflag:s26], $0x1200  }
0x4f: {  	[sflag:s26] =	ssyncset.done $0x0  }
0x50: {  	s6 =	rddreg [dreg:$0xa];
	[sflag:s26] =	ssyncadd.s32 $0xFFFFEE00  }
0x51: {  	[hbm4b:s6+s2] =	stream.linear.scatter [tilespmem:s13], [sflag:$0x9], $0x3200, $0x38;
	[tilespmem:$0x19320] =	vst v63  }
0x52: {  	_ =	swait.ge [sflag:s28], $0x2000  }
0x53: {  	[sflag:s28] =	ssyncset.done $0x0  }
0x54: {  	[sflag:s28] =	ssyncadd.s32 $0xFFFFE000  }
0x55: {  	_ =	swait.ge [sflag:s28], $0x1200  }
0x56: {  	[sflag:s28] =	ssyncset.done $0x0  }
0x57: {  	s7 =	sadd.s32 $0x640, s6;
	[sflag:s28] =	ssyncadd.s32 $0xFFFFEE00  }
0x58: {  	[hbm4b:s7+s2] =	stream.linear.scatter [tilespmem:s17], [sflag:$0xA], $0x3200, $0x38;
	[tilespmem:$0x19320] =	vst v63  }
0x59: {  	_ =	swait.ge [sflag:s29], $0x2000  }
0x5a: {  	[sflag:s29] =	ssyncset.done $0x0  }
0x5b: {  	[sflag:s29] =	ssyncadd.s32 $0xFFFFE000  }
0x5c: {  	_ =	swait.ge [sflag:s29], $0x1200  }
0x5d: {  	[sflag:s29] =	ssyncset.done $0x0  }
0x5e: {  	s8 =	simm.s32 $0x6590;
	[sflag:s29] =	ssyncadd.s32 $0xFFFFEE00  }
0x5f: {  	[tilespmem:s22], [sflag:$0x7] =	stream.indirect.gather.add.f32 [spmem:s1], $0x40, s8, s12, $0xb8;
	[tilespmem:$0x19320] =	vst v63  }
0x60: {  	s11 =	simm.s32 $0x6610  }
0x61: {  	[tilespmem:s23], [sflag:$0x7] =	stream.indirect.gather.add.f32 [spmem:s1], $0x40, s11, s14, $0xb8;
	[tilespmem:$0x19320] =	vst v63  }
0x62: {  	_ =	swait.ge [sflag:s30], $0x2000  }
0x63: {  	[sflag:s30] =	ssyncset.done $0x0  }
0x64: {  	[sflag:s30] =	ssyncadd.s32 $0xFFFFE000  }
0x65: {  	_ =	swait.ge [sflag:s30], $0x1200  }
0x66: {  	[sflag:s30] =	ssyncset.done $0x0  }
0x67: {  	s15 =	simm.s32 $0x6658;
	[sflag:s30] =	ssyncadd.s32 $0xFFFFEE00  }
0x68: {  	[tilespmem:s24], [sflag:$0x8] =	stream.indirect.gather.add.f32 [spmem:s1], $0x40, s15, s12, $0xb8;
	[tilespmem:$0x19320] =	vst v63  }
0x69: {  	s16 =	simm.s32 $0x66D8  }
0x6a: {  	[tilespmem:s25], [sflag:$0x8] =	stream.indirect.gather.add.f32 [spmem:s1], $0x40, s16, s14, $0xb8;
	[tilespmem:$0x19320] =	vst v63  }
0x6b: {  	_ =	swait.ge [sflag:s31], $0x3200  }
0x6c: {  	p1 =	por $0x0, $0x0;
	[sflag:s31] =	ssyncset.done $0x0  }
0x6d: {  	s5 =	simm.s32 @p1 $0xA;
	[sflag:s31] =	ssyncadd.s32 $0xFFFFCE00  }
0x6e: {  	_ =	swait.ge @p1 [sflag:s5], $0x3200  }
0x6f: {  	s7 =	simm.s32 @!p1 $0x320;
	[sflag:s5] =	ssyncset.done @p1 $0x0  }
0x70: {  	s8 =	simm.s32 @!p1 $0x80;
	s11 =	simm.s32 @!p1 $0xCB20;
	[sflag:s5] =	ssyncadd.s32 @p1 $0xFFFFCE00  }
0x71: {  	[tilespmem:s11], [sflag:$0x1] =	stream.indirect.gather @!p1 [hbm4b:s3+s8], $0x40, s7, s8, $0xb8;
	[tilespmem:$0x19320] =	vst v63  }
0x72: {  	s5 =	simm.s32 @!p1 $0x3A0;
	s7 =	simm.s32 @!p1 $0x48;
	s11 =	simm.s32 @!p1 $0xEB20  }
0x73: {  	[tilespmem:s11], [sflag:$0x1] =	stream.indirect.gather @!p1 [hbm4b:s3+s7], $0x40, s5, s7, $0xb8;
	[tilespmem:$0x19320] =	vst v63  }
0x74: {  	s5 =	simm.s32 @!p1 $0xA  }
0x75: {  	_ =	swait.ge @!p1 [sflag:s5], $0x3200  }
0x76: {  	[sflag:s5] =	ssyncset.done @!p1 $0x0  }
0x77: {  	s11 =	simm.s32 @!p1 $0x3E8;
	[sflag:s5] =	ssyncadd.s32 @!p1 $0xFFFFCE00;
	s5 =	simm.s32 @!p1 $0xFD20  }
0x78: {  	[tilespmem:s5], [sflag:$0x2] =	stream.indirect.gather @!p1 [hbm4b:s3+s8], $0x40, s11, s8, $0xb8;
	[tilespmem:$0x19320] =	vst v63  }
0x79: {  	s5 =	simm.s32 @!p1 $0x468;
	s8 =	simm.s32 @!p1 $0x11D20  }
0x7a: {  	[tilespmem:s8], [sflag:$0x2] =	stream.indirect.gather @!p1 [hbm4b:s3+s7], $0x40, s5, s7, $0xb8;
	[tilespmem:$0x19320] =	vst v63  }
0x7b: {  	_ =	swait.ge [sflag:s0], $0x2000  }
0x7c: {  	[sflag:s0] =	ssyncset.done $0x0  }
0x7d: {  	[sflag:s0] =	ssyncadd.s32 $0xFFFFE000  }
0x7e: {  	_ =	swait.ge [sflag:s0], $0x1200  }
0x7f: {  	[sflag:s0] =	ssyncset.done $0x0  }
0x80: {  	s18 =	sadd.s32 $0xC80, s6;
	[sflag:s0] =	ssyncadd.s32 $0xFFFFEE00  }
0x81: {  	[hbm4b:s18+s2] =	stream.linear.scatter [tilespmem:s22], [sflag:$0xB], $0x3200, $0x38;
	[tilespmem:$0x19320] =	vst v63  }
0x82: {  	_ =	swait.ge [sflag:s10], $0x2000  }
0x83: {  	[sflag:s10] =	ssyncset.done $0x0  }
0x84: {  	[sflag:s10] =	ssyncadd.s32 $0xFFFFE000  }
0x85: {  	s11 =	sadd.s32 $0x12C0, s6;
	_ =	swait.ge [sflag:s10], $0x1200  }
0x86: {  	s5 =	simm.s32 $0xC80;
	s8 =	smov.u32 s6;
	[sflag:s10] =	ssyncset.done $0x0  }
.LBB2_2:
0x87: {  	[sflag:s10] =	ssyncadd.s32 $0xFFFFEE00  }
0x88: {  	s8 =	sadd.s32 $0x1900, s8;
	s7 =	smov.u32 s5;
	s5 =	sadd.s32 $0xC80, s5  }
0x89: {  	[hbm4b:s11+s2] =	stream.linear.scatter [tilespmem:s24], [sflag:$0xC], $0x3200, $0x38;
	[tilespmem:$0x19320] =	vst v63  }
0x8a: {  	p1 =	sne.s32 s5, $0x19000;
	_ =	swait.ge [sflag:s20], $0x2000  }
0x8b: {  	[sflag:s20] =	ssyncset.done $0x0  }
0x8c: {  	[sflag:s20] =	ssyncadd.s32 $0xFFFFE000  }
0x8d: {  	_ =	swait.ge [sflag:s20], $0x1200  }
0x8e: {  	s11 =	sshra.s32 s7, $0x2;
	[sflag:s20] =	ssyncset.done $0x0  }
0x8f: {  	s16 =	sadd.s32 $0x6400, s11;
	[sflag:s20] =	ssyncadd.s32 $0xFFFFEE00  }
0x90: {  	[tilespmem:s13], [sflag:$0x5] =	stream.indirect.gather.add.f32 [spmem:s1], $0x40, s16, s12, $0xb8;
	[tilespmem:$0x19320] =	vst v63  }
0x91: {  	s16 =	sadd.s32 $0x6480, s11  }
0x92: {  	[tilespmem:s9], [sflag:$0x5] =	stream.indirect.gather.add.f32 [spmem:s1], $0x40, s16, s14, $0xb8;
	[tilespmem:$0x19320] =	vst v63  }
0x93: {  	_ =	swait.ge [sflag:s21], $0x2000  }
0x94: {  	[sflag:s21] =	ssyncset.done $0x0  }
0x95: {  	[sflag:s21] =	ssyncadd.s32 $0xFFFFE000  }
0x96: {  	_ =	swait.ge [sflag:s21], $0x1200  }
0x97: {  	[sflag:s21] =	ssyncset.done $0x0  }
0x98: {  	s16 =	sadd.s32 $0x64C8, s11;
	[sflag:s21] =	ssyncadd.s32 $0xFFFFEE00  }
0x99: {  	[tilespmem:s17], [sflag:$0x6] =	stream.indirect.gather.add.f32 [spmem:s1], $0x40, s16, s12, $0xb8;
	[tilespmem:$0x19320] =	vst v63  }
0x9a: {  	p2 =	seq.s32 s7, $0x0;
	s16 =	sadd.s32 $0x6548, s11  }
0x9b: {  	[tilespmem:s19], [sflag:$0x6] =	stream.indirect.gather.add.f32 [spmem:s1], $0x40, s16, s14, $0xb8;
	[tilespmem:$0x19320] =	vst v63  }
0x9c: {  	s16 =	simm.s32 @!p2 $0xB  }
0x9d: {  	_ =	swait.ge @!p2 [sflag:s16], $0x3200  }
0x9e: {  	s18 =	sadd.s32 $0x190, s11;
	[sflag:s16] =	ssyncset.done @!p2 $0x0  }
0x9f: {  	[sflag:s16] =	ssyncadd.s32 @!p2 $0xFFFFCE00  }
0xa0: {  	[tilespmem:s22], [sflag:$0x3] =	stream.indirect.gather [hbm4b:s3+s12], $0x40, s18, s12, $0xb8;
	[tilespmem:$0x19320] =	vst v63  }
0xa1: {  	s16 =	sadd.s32 $0x210, s11;
	s18 =	simm.s32 @!p2 $0xC  }
0xa2: {  	[tilespmem:s23], [sflag:$0x3] =	stream.indirect.gather [hbm4b:s3+s14], $0x40, s16, s14, $0xb8;
	[tilespmem:$0x19320] =	vst v63  }
0xa3: {  	_ =	swait.ge @!p2 [sflag:s18], $0x3200  }
0xa4: {  	s16 =	sadd.s32 $0x258, s11;
	[sflag:s18] =	ssyncset.done @!p2 $0x0  }
0xa5: {  	[sflag:s18] =	ssyncadd.s32 @!p2 $0xFFFFCE00;
	s18 =	sadd.s32 $0x2D8, s11  }
0xa6: {  	[tilespmem:s24], [sflag:$0x4] =	stream.indirect.gather [hbm4b:s3+s12], $0x40, s16, s12, $0xb8;
	[tilespmem:$0x19320] =	vst v63  }
0xa7: {  	_ = 	snop  }
0xa8: {  	[tilespmem:s25], [sflag:$0x4] =	stream.indirect.gather [hbm4b:s3+s14], $0x40, s18, s14, $0xb8;
	[tilespmem:$0x19320] =	vst v63  }
0xa9: {  	_ =	swait.ge [sflag:s26], $0x2000  }
0xaa: {  	[sflag:s26] =	ssyncset.done $0x0  }
0xab: {  	[sflag:s26] =	ssyncadd.s32 $0xFFFFE000  }
0xac: {  	_ =	swait.ge [sflag:s26], $0x1200  }
0xad: {  	[sflag:s26] =	ssyncset.done $0x0  }
0xae: {  	[sflag:s26] =	ssyncadd.s32 $0xFFFFEE00  }
0xaf: {  	[hbm4b:s8+s2] =	stream.linear.scatter [tilespmem:s13], [sflag:$0x9], $0x3200, $0x38;
	[tilespmem:$0x19320] =	vst v63  }
0xb0: {  	_ =	swait.ge [sflag:s28], $0x2000  }
0xb1: {  	[sflag:s28] =	ssyncset.done $0x0  }
0xb2: {  	[sflag:s28] =	ssyncadd.s32 $0xFFFFE000  }
0xb3: {  	_ =	swait.ge [sflag:s28], $0x1200  }
0xb4: {  	s16 =	sadd.s32 $0x640, s8;
	[sflag:s28] =	ssyncset.done $0x0  }
0xb5: {  	[sflag:s28] =	ssyncadd.s32 $0xFFFFEE00  }
0xb6: {  	[hbm4b:s16+s2] =	stream.linear.scatter [tilespmem:s17], [sflag:$0xA], $0x3200, $0x38;
	[tilespmem:$0x19320] =	vst v63  }
0xb7: {  	_ =	swait.ge [sflag:s29], $0x2000  }
0xb8: {  	[sflag:s29] =	ssyncset.done $0x0  }
0xb9: {  	[sflag:s29] =	ssyncadd.s32 $0xFFFFE000  }
0xba: {  	_ =	swait.ge [sflag:s29], $0x1200  }
0xbb: {  	s16 =	sadd.s32 $0x6590, s11;
	[sflag:s29] =	ssyncset.done $0x0  }
0xbc: {  	s18 =	sadd.s32 $0x6610, s11;
	[sflag:s29] =	ssyncadd.s32 $0xFFFFEE00  }
0xbd: {  	[tilespmem:s22], [sflag:$0x7] =	stream.indirect.gather.add.f32 [spmem:s1], $0x40, s16, s12, $0xb8;
	[tilespmem:$0x19320] =	vst v63  }
0xbe: {  	_ = 	snop  }
0xbf: {  	[tilespmem:s23], [sflag:$0x7] =	stream.indirect.gather.add.f32 [spmem:s1], $0x40, s18, s14, $0xb8;
	[tilespmem:$0x19320] =	vst v63  }
0xc0: {  	_ =	swait.ge [sflag:s30], $0x2000  }
0xc1: {  	[sflag:s30] =	ssyncset.done $0x0  }
0xc2: {  	[sflag:s30] =	ssyncadd.s32 $0xFFFFE000  }
0xc3: {  	_ =	swait.ge [sflag:s30], $0x1200  }
0xc4: {  	s16 =	sadd.s32 $0x6658, s11;
	[sflag:s30] =	ssyncset.done $0x0  }
0xc5: {  	s11 =	sadd.s32 $0x66D8, s11;
	[sflag:s30] =	ssyncadd.s32 $0xFFFFEE00  }
0xc6: {  	[tilespmem:s24], [sflag:$0x8] =	stream.indirect.gather.add.f32 [spmem:s1], $0x40, s16, s12, $0xb8;
	[tilespmem:$0x19320] =	vst v63  }
0xc7: {  	_ = 	snop  }
0xc8: {  	[tilespmem:s25], [sflag:$0x8] =	stream.indirect.gather.add.f32 [spmem:s1], $0x40, s11, s14, $0xb8;
	[tilespmem:$0x19320] =	vst v63  }
0xc9: {  	p2 =	seq.s32 s7, $0x18380;
	_ =	swait.ge [sflag:s31], $0x3200  }
0xca: {  	s7 =	sshra.s32 @!p2 s7, $0x2;
	s11 =	simm.s32 @p2 $0xA;
	[sflag:s31] =	ssyncset.done $0x0  }
0xcb: {  	s18 =	sadd.s32 @!p2 $0x3A0, s7;
	s16 =	sadd.s32 @!p2 $0x320, s7;
	[sflag:s31] =	ssyncadd.s32 $0xFFFFCE00  }
0xcc: {  	s9 =	sadd.s32 @!p2 $0x3E8, s7;
	s7 =	sadd.s32 @!p2 $0x468, s7;
	_ =	swait.ge @p2 [sflag:s11], $0x3200  }
0xcd: {  	s6 =	simm.s32 @!p2 $0x80;
	s4 =	simm.s32 @!p2 $0xCB20;
	[sflag:s11] =	ssyncset.done @p2 $0x0  }
0xce: {  	s15 =	simm.s32 @!p2 $0xEB20;
	[sflag:s11] =	ssyncadd.s32 @p2 $0xFFFFCE00;
	s11 =	simm.s32 @!p2 $0x48  }
0xcf: {  	[tilespmem:s4], [sflag:$0x1] =	stream.indirect.gather @!p2 [hbm4b:s3+s6], $0x40, s16, s6, $0xb8;
	[tilespmem:$0x19320] =	vst v63  }
0xd0: {  	s4 =	simm.s32 @!p2 $0xA  }
0xd1: {  	[tilespmem:s15], [sflag:$0x1] =	stream.indirect.gather @!p2 [hbm4b:s3+s11], $0x40, s18, s11, $0xb8;
	[tilespmem:$0x19320] =	vst v63  }
0xd2: {  	_ =	swait.ge @!p2 [sflag:s4], $0x3200  }
0xd3: {  	s15 =	simm.s32 @!p2 $0xFD20;
	[sflag:s4] =	ssyncset.done @!p2 $0x0  }
0xd4: {  	[sflag:s4] =	ssyncadd.s32 @!p2 $0xFFFFCE00;
	s4 =	simm.s32 @!p2 $0x11D20  }
0xd5: {  	[tilespmem:s15], [sflag:$0x2] =	stream.indirect.gather @!p2 [hbm4b:s3+s6], $0x40, s9, s6, $0xb8;
	[tilespmem:$0x19320] =	vst v63  }
0xd6: {  	s9 =	simm.s32 $0xEB20;
	_ =	sdelay $0x1  }
0xd7: {  	[tilespmem:s4], [sflag:$0x2] =	stream.indirect.gather @!p2 [hbm4b:s3+s11], $0x40, s7, s11, $0xb8;
	[tilespmem:$0x19320] =	vst v63  }
0xd8: {  	_ =	swait.ge [sflag:s0], $0x2000  }
0xd9: {  	[sflag:s0] =	ssyncset.done $0x0  }
0xda: {  	[sflag:s0] =	ssyncadd.s32 $0xFFFFE000  }
0xdb: {  	_ =	swait.ge [sflag:s0], $0x1200  }
0xdc: {  	s4 =	sadd.s32 $0xC80, s8;
	[sflag:s0] =	ssyncset.done $0x0  }
0xdd: {  	[sflag:s0] =	ssyncadd.s32 $0xFFFFEE00  }
0xde: {  	[hbm4b:s4+s2] =	stream.linear.scatter [tilespmem:s22], [sflag:$0xB], $0x3200, $0x38;
	[tilespmem:$0x19320] =	vst v63  }
.Ltmp0:
0xdf: {  	_ =	swait.ge [sflag:s10], $0x2000;
	(pc) =	sbr.rel @p1 .LBB2_2-.Ltmp0, $4  }
0xe0: {  	[sflag:s10] =	ssyncset.done $0x0  }
0xe1: {  	[sflag:s10] =	ssyncadd.s32 $0xFFFFE000  }
0xe2: {  	_ =	swait.ge [sflag:s10], $0x1200  }
0xe3: {  	s11 =	sadd.s32 $0x12C0, s8;
	[sflag:s10] =	ssyncset.done $0x0  }
0xe4: {  	[sflag:s10] =	ssyncadd.s32 $0xFFFFEE00;
	s4 =	simm.s32 $0xB  }
0xe5: {  	[hbm4b:s11+s2] =	stream.linear.scatter [tilespmem:s24], [sflag:$0xC], $0x3200, $0x38;
	[tilespmem:$0x19320] =	vst v63  }
0xe6: {  	_ =	swait.ge [sflag:s4], $0x3200  }
0xe7: {  	[sflag:s4] =	ssyncset.done $0x0  }
0xe8: {  	s5 =	simm.s32 $0xC;
	[sflag:s4] =	ssyncadd.s32 $0xFFFFCE00  }
0xe9: {  	_ =	swait.ge [sflag:s5], $0x3200  }
0xea: {  	s6 =	rddreg [dreg:$0xc]  }
0xeb: {  	s18 =	rddreg [dreg:$0x9];
	s6 =	sadd.s32 $0x1, s6  }
0xec: {  	p1 =	sne.s32 s6, s18  }
.Ltmp1:
0xed: {  	_ = 	snop;
	(pc) =	sbr.rel @p1 .LBB2_1-.Ltmp1, $3  }
0xee: {  	_ =	sdelay $0x1  }
0xef: {  	[sflag:s5] =	ssyncset.done $0x0  }
0xf0: {  	[sflag:s5] =	ssyncadd.s32 $0xFFFFCE00  }
0xf1: {  	_ =	sfence.sel $0x180000  }
0xf2: {  	[bflag:$0x0] =	sbarrier.arrive $0xFFFF  }
0xf3: {  	_ =	strace $0x90000047  }
0xf4: {  	[bflag:$0x2] =	sbarrier.arrive $0xFFFF  }
0xf5: {  	s0 =	rddreg [dreg:$0x5]  }
0xf6: {  	s0 =	sadd.s32 @!p0 $0x100000, s0  }
0xf7: {  	[sflag:s0] =	ssyncadd.tile.s32 @!p0 $0x1;
	_ =	shalt  }
.Lfunc_end2:
_tile_overlayer_lowered:
.L_overlay_start_2:
0xf8: {  	(tag) =	ssettag $0x2  }
0xf9: {  	s0 =	rddreg [dreg:$0x0];
	s2 =	stileid.u32  }
0xfa: {  	s1 =	rddreg [dreg:$0x1];
	p0 =	sne.s32 s2, $0x0  }
0xfb: {  	s3 =	rddreg [dreg:$0x2];
	[bflag:$0x3] =	sbarrier.arrive $0xFFFF;
	s2 =	simm.s32 @!p0 $0x1C0D  }
0xfc: {  	[timem:s3], [sflag:s2] =	dma.local @!p0 [hbm:s0], s1  }
0xfd: {  	s0 =	simm.s32 @!p0 $0xD  }
0xfe: {  	_ =	swait.ge @!p0 [sflag:s0], s1  }
0xff: {  	s1 =	ssub.s32 @!p0 $0x0, s1;
	[sflag:s0] =	ssyncset.done @!p0 $0x0  }
0x100: {  	[sflag:s0] =	ssyncadd.s32 @!p0 s1  }
0x101: {  	[bflag:$0x3] =	sbarrier.arrive $0xFFFF  }
0x102: {  	_ =	shalt  }

// kernel: sparse-core-data-format-call.cloned.1.call-start
scs
called_computation_lowered:
.L_overlay_start_0:
0x0: {  	s2 =	sld [smem:$0x3FD9]  }
0x1: {  	s3 =	sld [smem:$0x3FFE];
	_ =	sdelay $0x1  }
0x2: {  	s1 =	srdreg.scid  }
0x3: {  	s0 =	sand.u32 $0x1, s1  }
0x4: {  	s18 =	sshll.u32 s0, $0xA;
	s2 =	sadd.s32 s3, s2  }
0x5: {  	s2 =	sadd.s32 s2, s18  }
0x6: {  	[smem:$0x3FC4] =	sst s2  }
0x7: {  	_ = 	snop  }
0x8: {  	s2 =	sld [smem:$0x3FD0];
	(tm) =	ssettm $0x1  }
0x9: {  	s19 =	sld [smem:$0x3FFB];
	_ =	sdelay $0x3  }
0xa: {  	_ =	strace s19  }
0xb: {  	s3 =	sld [smem:$0x3FFC];
	_ =	sdelay $0x3  }
0xc: {  	_ =	strace s3  }
0xd: {  	s3 =	sld [smem:$0x3FFD];
	_ =	sdelay $0x3  }
0xe: {  	_ =	strace s3  }
0xf: {  	_ =	strace $0x8FFFFFFF  }
0x10: {  	s20 =	sld [smem:$0x3FDB];
	_ =	sdelay $0x1  }
0x11: {  	s4 =	simm.s32 $_scs_section_size  }
0x12: {  	s5 =	simm.s32 $_size__tile_overlayer_lowered;
	s6 =	simm.s32 $_tile_overlayer_lowered  }
0x13: {  	s23 =	simm.s32 $0x1BFF;
	s22 =	sshll.u32 s6, $0x1;
	s3 =	sadd.s32 s4, s20  }
0x14: {  	s7 =	simm.s32 $0x0;
	s21 =	sshll.u32 s5, $0x1;
	s5 =	sadd.s32 s22, s3  }
0x15: {  	[timem:s7], [sflag:s23] =	dma.local [hbm:s5], s21  }
0x16: {  	_ =	swait.ge [sflag:s23], s21  }
0x17: {  	s4 =	ssub.s32 $0x0, s21;
	[sflag:s23] =	ssyncset.done $0x0  }
0x18: {  	[sflag:s23] =	ssyncadd.s32 s4;
	_ =	sdelay $0x1  }
0x19: {  	s24 =	simm.s32 $0x1B8B  }
0x1a: {  	_ =	swait.ge [sflag:s24], $0x1  }
0x1b: {  	[sflag:s24] =	ssyncset.done $0x0  }
0x1c: {  	s26 =	simm.s32 $0x1B8E;
	s25 =	sld [smem:$0x3FFE];
	[sflag:s24] =	ssyncadd.s32 $0xFFFFFFFF  }
0x1d: {  	s27 =	simm.s32 $execute0_lowered;
	[smem:$0x3FD2] =	sst s26  }
0x1e: {  	s5 =	sshll.u32 s27, $0x1;
	_ =	strace $0x80000049;
	[dreg:$0x1] =	wrdreg $0xFFFFFFFF  }
0x1f: {  	s28 =	simm.s32 $_size_execute0_lowered;
	s3 =	sadd.s32 s3, s5;
	[dreg:$0x0] =	wrdreg $0x0  }
0x20: {  	s5 =	sshll.u32 s28, $0x1;
	[dreg:$0x2] =	wrdreg s3  }
0x21: {  	[dreg:$0x3] =	wrdreg s5  }
0x22: {  	[dreg:$0x4] =	wrdreg $0xC0  }
0x23: {  	_ =	task [dreg:s7], $0x5FFFF  }
0x24: {  	[dreg:$0x1] =	wrdreg $0xFFFFFFFF  }
0x25: {  	[dreg:$0x0] =	wrdreg $0x60  }
0x26: {  	[dreg:$0x2] =	wrdreg s25  }
0x27: {  	[dreg:$0x3] =	wrdreg s2  }
0x28: {  	[dreg:$0x4] =	wrdreg $0x9  }
0x29: {  	_ =	task.clear_ibuf [dreg:s7], $0x5FFFF;
	_ =	strace $0x90000049  }
0x2a: {  	s29 =	simm.s32 $0x9;
	_ =	strace $0x8000004B  }
0x2b: {  	_ =	swait.ge [sflag:s29], $0x1  }
0x2c: {  	[sflag:s29] =	ssyncadd.s32 $0xFFFFFFFF  }
0x2d: {  	_ =	strace $0x9000004B  }
0x2e: {  	_ =	sfence  }
0x2f: {  	s30 =	sld [smem:$0x0];
	_ =	sdelay $0x2  }
0x30: {  	s31 =	sshll.u32 s1, $0xD;
	s1 =	sshrl.u32 s1, $0x2  }
0x31: {  	s3 =	sand.u32 $0x4000, s31;
	s1 =	sadd.s32 s1, s30  }
0x32: {  	s0 =	sor.u32 s3, s0;
	s1 =	sshll.u32 s1, $0x11  }
0x33: {  	s0 =	sor.u32 s1, s0  }
0x34: {  	s0 =	sadd.s32 $0x8F2B, s0  }
0x35: {  	[sflag:s0] =	ssyncadd.remote.s32 $0x1  }
0x36: {  	_ =	sfence.sel $0xFFFF  }
0x37: {  	[dreg:$0x0] =	wrdreg $0xFFFFFFFF;
	(pc) =	sbr.abs _section_cstart, $3  }
0x38: {  	[dreg:$0x1] =	wrdreg $0xFFFFFFFF  }
0x39: {  	_ =	task.clear_ibuf [dreg:s7], $0x2FFFF;
	_ =	strace $0x9FFFFFFF  }
0x3a: {  	(tm) =	ssettm $0x7FFFFFFF  }
0x3b: {  	_ =	shalt  }
tec
execute0_lowered:
.L_overlay_start_1:
0x0: {  	(tag) =	ssettag $0x1  }
0x1: {  	s0 =	srdreg.scid  }
0x2: {  	s1 =	sshll.u32 s0, $0x4  }
0x3: {  	s0 =	stileid.u32;
	s1 =	sand.u32 $0x10, s1  }
0x4: {  	s1 =	sor.u32 s0, s1  }
0x5: {  	s6 =	rddreg [dreg:$0x0];
	s4 =	simm.s32 $0x1;
	s2 =	sshll.u32 s1, $0x7  }
0x6: {  	s7 =	simm.s32 $0x2;
	s12 =	simm.s32 $0x0;
	s1 =	ssub.s32 $0x1000, s2  }
0x7: {  	s8 =	simm.s32 $0x8000;
	s13 =	simm.s32 $0x0;
	s3 =	sand.u32 $0xF80, s1  }
0x8: {  	s9 =	simm.s32 $0x0;
	s5 =	sshrl.u32 s1, $0xC;
	p0 =	sne.s32 s3, $0x0  }
.Ltmp0:
0x9: {  	s1 =	rddreg [dreg:$0x2];
	s4 =	simm.s32 @!p0 $0x0;
	(pc) =	sbr.rel .LBB1_1-.Ltmp0, $4  }
0xa: {  	s11 =	simm.s32 $0x0;
	s3 =	rddreg [dreg:$0x1];
	s5 =	sadd.s32 s4, s5  }
0xb: {  	_ =	strace $0x8000004A;
	s4 =	simm.s32 $0x1;
	s5 =	smul.u32 $0xC8, s5  }
0xc: {  	s6 =	sadd.s32 $0xA00, s6;
	s10 =	smov.u32 s2;
	[sflag:s4] =	ssyncpa.u1 $0x0  }
0xd: {  	p0 =	por $0x0, $0x0;
	[sflag:s7] =	ssyncpa.u1 $0x0;
	s7 =	sor.u32 $0x1, s5  }
.LBB1_4:
0xe: {  	s16 =	sshll.u32 s13, $0x3;
	s17 =	sand.u32 $0x78, s13  }
0xf: {  	s30 =	sand.u32 $0x7E00, s13;
	s12 =	sshll.u32 s12, $0xF;
	s16 =	sand.u32 $0xC00, s16  }
0x10: {  	[tilespmem:s15+$0x810 ss:$0x81] =	vst.msk $0xffff, v2;
	s31 =	sand.u32 $0x7, s13;
	s16 =	sor.u32 s17, s16;
	s17 =	sadd.s32 s3, s30  }
0x11: {  	[tilespmem:s15+$0x1020 ss:$0x81] =	vst.msk $0xffff, v0;
	s13 =	sshll.u32 s31, $0x12;
	s12 =	sadd.s32 s12, s17;
	s16 =	sshrl.u32 s16, $0x3  }
0x12: {  	[tilespmem:s15+$0x0 ss:$0x81] =	vst.msk $0xffff, v1;
	s13 =	sor.u32 $0x400, s13;
	s12 =	sadd.s32 s16, s12  }
0x13: {  	[hbm4b:s12+s13] =	stream.strided.scatter [tilespmem:s14], [sflag:$0x2], $0x2000, s8, s13, $0x20;
	[tilespmem:$0x8080] =	vst v63  }
.LBB1_5:
0x14: {  	s14 =	sadd.s32 $0x1, s9  }
0x15: {  	s12 =	sadd.s32 $0x1000, s10;
	s16 =	smov.u32 s10;
	p2 =	sgt.s32 s14, $0xC7  }
0x16: {  	s16 =	smov.u32 @p2 s12  }
0x17: {  	s14 =	simm.s32 @p2 $0x0;
	p2 =	sgt.s32 s16, $0xFFF  }
0x18: {  	s16 =	smov.u32 @p2 s2;
	p2 =	sne.s32 s11, s7  }
.Ltmp1:
0x19: {  	p1 =	slt.u32 s11, $0x2;
	(pc) =	sbr.rel @!p2 .LBB1_6-.Ltmp1, $4  }
0x1a: {  	s15 =	simm.s32 @!p1 $0x2  }
0x1b: {  	s13 =	smov.u32 s10;
	p0 =	por !p0, !p0;
	_ =	swait.ge @!p1 [sflag:s15], $0x2000  }
0x1c: {  	s12 =	smov.u32 s9;
	[sflag:s15] =	ssyncset.done @!p1 $0x0;
	s9 =	smov.u32 s14  }
0x1d: {  	s11 =	sadd.s32 $0x1, s11;
	[sflag:s15] =	ssyncadd.s32 @!p1 $0xFFFFE000;
	s10 =	smov.u32 s16  }
.LBB1_1:
0x1e: {  	p1 =	sge.u32 s11, s5  }
0x1f: {  	s14 =	sand.u32 @!p1 $0x1FFFFFF, s9  }
0x20: {  	s15 =	smulhi.u32 @!p1 $0x147AE15, s14;
	_ =	sdelay $0x1  }
0x21: {  	s15 =	smul.u32 @!p1 $0xC8, s15  }
0x22: {  	s16 =	sxor.u32 @!p1 $0xFFFFFFFF, s11;
	s17 =	smul.u32 @!p1 $0xC80, s10  }
0x23: {  	s31 =	sadd.s32 $0xFFFFFFFF, s11;
	s16 =	sshll.u32 @!p1 s16, $0xD;
	s14 =	ssub.s32 @!p1 s14, s15  }
0x24: {  	s15 =	sand.u32 @!p1 $0x2000, s16;
	s16 =	sadd.s32 @!p1 s6, s17;
	s14 =	sshll.u32 @!p1 s14, $0x4  }
0x25: {  	s17 =	simm.s32 @!p1 $0x6400;
	s14 =	sadd.s32 @!p1 s14, s16;
	s16 =	simm.s32 @!p1 $0x40  }
0x26: {  	[tilespmem:s15], [sflag:$0x1] =	stream.strided.gather @!p1 [hbm4b:s14+s16], $0x2000, s17, s16, $0x38;
	[tilespmem:$0x8080] =	vst v63  }
0x27: {  	p1 =	sge.u32 s31, s5  }
.Ltmp2:
0x28: {  	_ = 	snop;
	(pc) =	sbr.rel @p1 .LBB1_5-.Ltmp2, $1  }
0x29: {  	_ =	sdelay $0x3  }
0x2a: {  	s14 =	simm.s32 $0x1  }
0x2b: {  	_ =	swait.ge [sflag:s4], $0x2000;
	s14 =	simm.s32 @!p0 $0x0  }
0x2c: {  	[sflag:s4] =	ssyncset.done $0x0;
	s15 =	sshll.u32 s14, $0xD  }
0x2d: {  	[sflag:s4] =	ssyncadd.s32 $0xFFFFE000;
	s18 =	sor.u32 $0x20, s15  }
0x2e: {  	s14 =	smul.u32 $0x8100, s14;
	v3 =	vld [tilespmem:s18+$0x10]  }
0x2f: {  	s30 =	sand.u32 $0x1, s11;
	v2 =	vld [tilespmem:s18+$0xFFFFFFF0]  }
0x30: {  	s15 =	smul.u32 $0x8100, s30;
	s14 =	sshrl.u32 s14, $0x2;
	v0 =	vld [tilespmem:s18+$0x0]  }
0x31: {  	v1 =	vld [tilespmem:s18+$0xFFFFFFE0];
	s16 =	sor.u32 $0x4000, s14  }
0x32: {  	s31 =	sshrl.u32 s15, $0x2;
	s15 =	sadd.s32 $0x0, s16  }
0x33: {  	s17 =	simm.s32 $0x4;
	s18 =	sadd.s32 $0x40, s18;
	s14 =	sor.u32 $0x4000, s31;
	[tilespmem:s15+$0x1830 ss:$0x81] =	vst.msk $0xffff, v3  }
.LBB1_3:
0x34: {  	v3 =	vld [tilespmem:s18+$0x10];
	p1 =	sne.s32 s17, $0x1FC;
	[tilespmem:s15+$0x810 ss:$0x81] =	vst.msk $0xffff, v2;
	s19 =	smov.u32 s17;
	s17 =	sadd.s32 $0x4, s17  }
.Ltmp3:
0x35: {  	v2 =	vld [tilespmem:s18+$0xFFFFFFF0];
	[tilespmem:s15+$0x1020 ss:$0x81] =	vst.msk $0xffff, v0;
	(pc) =	sbr.rel @p1 .LBB1_3-.Ltmp3, $4  }
0x36: {  	v0 =	vld [tilespmem:s18+$0x0];
	[tilespmem:s15+$0x0 ss:$0x81] =	vst.msk $0xffff, v1  }
0x37: {  	s15 =	sshra.s32 s19, $0x2;
	v1 =	vld [tilespmem:s18+$0xFFFFFFE0]  }
0x38: {  	s15 =	sadd.s32 s15, s16  }
0x39: {  	s18 =	sadd.s32 $0x40, s18;
	[tilespmem:s15+$0x1830 ss:$0x81] =	vst.msk $0xffff, v3  }
.Ltmp4:
0x3a: {  	_ = 	snop;
	(pc) =	sbr.rel .LBB1_4-.Ltmp4, $1  }
0x3b: {  	_ =	sdelay $0x3  }
.LBB1_6:
0x3c: {  	_ =	sfence.sel $0x180000  }
0x3d: {  	s2 =	simm.s32 $0x1;
	[bflag:$0x0] =	sbarrier.arrive $0xFFFF  }
0x3e: {  	s31 =	simm.s32 $0x2;
	[sflag:s2] =	ssyncpa.u1 $0x1  }
0x3f: {  	[sflag:s31] =	ssyncpa.u1 $0x1  }
0x40: {  	p0 =	sne.s32 s0, $0x0;
	_ =	strace $0x9000004A  }
0x41: {  	s0 =	sadd.s32 @!p0 $0x100000, s1;
	[bflag:$0x2] =	sbarrier.arrive $0xFFFF  }
0x42: {  	[sflag:s0] =	ssyncadd.tile.s32 @!p0 $0x1;
	_ =	shalt  }
.Lfunc_end1:
_tile_overlayer_lowered:
.L_overlay_start_2:
0x43: {  	(tag) =	ssettag $0x2  }
0x44: {  	s0 =	rddreg [dreg:$0x0];
	s2 =	stileid.u32  }
0x45: {  	s1 =	rddreg [dreg:$0x1];
	p0 =	sne.s32 s2, $0x0  }
0x46: {  	s3 =	rddreg [dreg:$0x2];
	[bflag:$0x3] =	sbarrier.arrive $0xFFFF;
	s2 =	simm.s32 @!p0 $0x1C01  }
0x47: {  	[timem:s3], [sflag:s2] =	dma.local @!p0 [hbm:s0], s1  }
0x48: {  	s0 =	simm.s32 @!p0 $0x1  }
0x49: {  	_ =	swait.ge @!p0 [sflag:s0], s1  }
0x4a: {  	s1 =	ssub.s32 @!p0 $0x0, s1;
	[sflag:s0] =	ssyncset.done @!p0 $0x0  }
0x4b: {  	[sflag:s0] =	ssyncadd.s32 @!p0 s1  }
0x4c: {  	[bflag:$0x3] =	sbarrier.arrive $0xFFFF  }
0x4d: {  	_ =	shalt  }

</sc_bundles>
